<compile_context>
chip_gen: v7x
topology: tpu7x:2x2x1
jax: 0.10.2.dev20260603
libtpu: 0.0.44.dev20260713+nightly
codegen_flags: <defaults>
</compile_context>

<pallas_src>
import functools

import jax
import jax.numpy as jnp
from jax import lax
from jax.experimental import pallas as pl
from jax.experimental.pallas import tpu as pltpu
from jax.experimental.pallas import tpu_sc as plsc

NUM_ENT = 1000000
NUM_REL = 500
DIM = 64
B = 16384
MARGIN = 1.0
REG_W = 0.01

NUM_PAIR = NUM_ENT // 2
NUM_QUAD = NUM_ENT // 4

NUM_WORKERS = 32
BPW = B // NUM_WORKERS
CHUNK = BPW // 2
HALF_B = B // 2
BPW_E = HALF_B // NUM_WORKERS
CHUNK_E = BPW_E // 2

ENT_BLK = 32768
GRID = 31
OVERLAP = GRID * ENT_BLK - NUM_ENT
QUARTER = ENT_BLK // 4

TRIP_BLK = 2048
TRIP_GRID = HALF_B // TRIP_BLK


def _scan_repack_body(ent_ref, rel_ref, pair_ref, stats_ref):
    i = pl.program_id(0)
    ones_row = jnp.ones((1, DIM), jnp.float32)

    @pl.when(i == 0)
    def _init():
        rel = rel_ref[...]
        stats_ref[0] = 0.0
        stats_ref[1] = jnp.sum(rel * rel)

    x = ent_ref[...]
    s = lax.dot_general(ones_row, x * x, (((1,), (0,)), ((), ())),
                        preferred_element_type=jnp.float32)
    contrib = jnp.minimum(s * 1e24, 1.0)
    lane = lax.broadcasted_iota(jnp.int32, (1, ENT_BLK), 1)
    fresh = jnp.logical_or(i < GRID - 1, lane >= OVERLAP)
    stats_ref[0] += jnp.sum(jnp.where(fresh, contrib, 0.0))

    u = lax.bitcast_convert_type(x, jnp.uint32)
    hi_mask = jnp.uint32(0xFFFF0000)

    def packed_t(k0, k1):
        w = ((u[:, k0 * QUARTER:(k0 + 1) * QUARTER] & hi_mask)
             | (u[:, k1 * QUARTER:(k1 + 1) * QUARTER] >> 16))
        return lax.bitcast_convert_type(jnp.transpose(w), jnp.float32)

    pair_ref[:, :DIM] = packed_t(0, 1)
    pair_ref[:, DIM:] = packed_t(2, 3)


def _scan_repack(ent_t, rel_pair):
    return pl.pallas_call(
        _scan_repack_body,
        grid=(GRID,),
        in_specs=[
            pl.BlockSpec((DIM, ENT_BLK), lambda i: (0, i)),
            pl.BlockSpec((NUM_REL // 2, 2 * DIM), lambda i: (0, 0)),
        ],
        out_specs=[
            pl.BlockSpec((QUARTER, 2 * DIM), lambda i: (i, 0)),
            pl.BlockSpec(memory_space=pltpu.SMEM),
        ],
        out_shape=[
            jax.ShapeDtypeStruct((NUM_QUAD, 2 * DIM), jnp.float32),
            jax.ShapeDtypeStruct((2,), jnp.float32),
        ],
    )(ent_t, rel_pair)


def _gather_pipeline(plan, bpw, chunk, rows, wsems, gsem):
    nsub = 2 * len(plan)
    writes = [None, None]
    steps = [(k, half) for k in range(len(plan)) for half in range(2)]
    gathers = [None] * nsub
    first = plan[0]
    gathers[0] = pltpu.async_copy(
        first[1].at[first[0].at[pl.ds(0, chunk)]], rows[0], gsem)
    for n, (k, half) in enumerate(steps):
        gathers[n].wait()
        if n + 1 < nsub:
            k2, h2 = steps[n + 1]
            buf = (n + 1) % 2
            if writes[buf] is not None:
                writes[buf].wait()
            nxt = plan[k2]
            gathers[n + 1] = pltpu.async_copy(
                nxt[1].at[nxt[0].at[pl.ds(h2 * chunk, chunk)]],
                rows[buf], gsem)
        base, out = plan[k][2], plan[k][3]
        writes[n % 2] = pltpu.async_copy(
            rows[n % 2], out.at[pl.ds(base + half * chunk, chunk)],
            wsems[n % 2])
    writes[0].wait()
    writes[1].wait()


def _sc_rel_body(relp_hbm, r_hbm, rg_hbm, i0, rows0, rows1,
                 gsem, wsem0, wsem1):
    wid = lax.axis_index("s") * 2 + lax.axis_index("c")
    base = wid * BPW
    pltpu.sync_copy(r_hbm.at[pl.ds(base, BPW)], i0)
    _gather_pipeline(((i0, relp_hbm, base, rg_hbm),), BPW, CHUNK,
                     (rows0, rows1), (wsem0, wsem1), gsem)


def _sc_ent_body(pair_hbm, h_hbm, t_hbm, tc_hbm,
                 hg_hbm, tg_hbm, tcg_hbm,
                 i0, i1, i2, rows0, rows1, gsem, wsem0, wsem1):
    wid = lax.axis_index("s") * 2 + lax.axis_index("c")
    base = wid * BPW_E
    for idx_v, idx_hbm in ((i0, h_hbm), (i1, t_hbm), (i2, tc_hbm)):
        pltpu.sync_copy(idx_hbm.at[pl.ds(base, BPW_E)], idx_v)
    plan = (
        (i0, pair_hbm, base, hg_hbm),
        (i1, pair_hbm, base, tg_hbm),
        (i2, pair_hbm, base, tcg_hbm),
    )
    _gather_pipeline(plan, BPW_E, CHUNK_E, (rows0, rows1),
                     (wsem0, wsem1), gsem)


_SC_MESH = dict(core_axis_name="c", subcore_axis_name="s")


@functools.cache
def _sc_rel():
    return pl.kernel(
        _sc_rel_body,
        mesh=plsc.VectorSubcoreMesh(**_SC_MESH),
        out_type=jax.ShapeDtypeStruct((B, 2 * DIM), jnp.float32),
        scratch_types=[
            pltpu.VMEM((BPW,), jnp.int32),
            pltpu.VMEM((CHUNK, 2 * DIM), jnp.float32),
            pltpu.VMEM((CHUNK, 2 * DIM), jnp.float32),
            pltpu.SemaphoreType.DMA,
            pltpu.SemaphoreType.DMA,
            pltpu.SemaphoreType.DMA,
        ],
    )


@functools.cache
def _sc_ent():
    return pl.kernel(
        _sc_ent_body,
        mesh=plsc.VectorSubcoreMesh(**_SC_MESH),
        out_type=[jax.ShapeDtypeStruct((HALF_B, 2 * DIM), jnp.float32)] * 3,
        scratch_types=[
            pltpu.VMEM((BPW_E,), jnp.int32),
            pltpu.VMEM((BPW_E,), jnp.int32),
            pltpu.VMEM((BPW_E,), jnp.int32),
            pltpu.VMEM((CHUNK_E, 2 * DIM), jnp.float32),
            pltpu.VMEM((CHUNK_E, 2 * DIM), jnp.float32),
            pltpu.SemaphoreType.DMA,
            pltpu.SemaphoreType.DMA,
            pltpu.SemaphoreType.DMA,
        ],
    )


def _row_dots(a, b, ones_row):
    return lax.dot_general(ones_row, a * b, (((1,), (1,)), ((), ())),
                           preferred_element_type=jnp.float32)


def _score_body(hg_ref, rg_ref, tg_ref, tcg_ref, par_ref, stats_ref,
                prev_ref, out_ref, acc_ref, *, final):
    i = pl.program_id(0)

    @pl.when(i == 0)
    def _init():
        acc_ref[0] = prev_ref[0]

    par = jnp.transpose(par_ref[...])

    def pick_quad(ref, half_col, word_col):
        blk = ref[...]
        p_half = par[:, half_col:half_col + 1] > 0.5
        hw = jnp.where(p_half, blk[:, DIM:], blk[:, :DIM])
        u = lax.bitcast_convert_type(hw, jnp.uint32)
        p_word = par[:, word_col:word_col + 1] > 0.5
        lo = lax.bitcast_convert_type(u << 16, jnp.float32)
        hi = lax.bitcast_convert_type(u & jnp.uint32(0xFFFF0000),
                                      jnp.float32)
        return jnp.where(p_word, lo, hi)

    def pick_rel(ref, col):
        blk = ref[...]
        even = blk[:, :DIM]
        odd = blk[:, DIM:]
        p = par[:, col:col + 1]
        return even + p * (odd - even)

    h = pick_quad(hg_ref, 0, 1)
    r = pick_rel(rg_ref, 2)
    t = pick_quad(tg_ref, 4, 5)
    c = pick_quad(tcg_ref, 6, 7)

    ones_row = jnp.ones((1, DIM), jnp.float32)
    hh = _row_dots(h, h, ones_row)
    tt = _row_dots(t, t, ones_row)
    cc = _row_dots(c, c, ones_row)
    rr = _row_dots(r, r, ones_row)
    hr = _row_dots(h, r, ones_row)
    ht = _row_dots(h, t, ones_row)
    hc = _row_dots(h, c, ones_row)
    rt = _row_dots(r, t, ones_row)
    rc = _row_dots(r, c, ones_row)
    dh = jnp.maximum(jnp.sqrt(hh), 1e-12)
    dt = jnp.maximum(jnp.sqrt(tt), 1e-12)
    dc = jnp.maximum(jnp.sqrt(cc), 1e-12)
    nh = hh / (dh * dh)
    pos2 = (nh + tt / (dt * dt) + rr
            + 2.0 * (hr / dh - ht / (dh * dt) - rt / dt))
    neg2 = (nh + cc / (dc * dc) + rr
            + 2.0 * (hr / dh - hc / (dh * dc) - rc / dc))
    ps = -jnp.sqrt(jnp.maximum(pos2, 0.0) + 1e-12)
    ns = -jnp.sqrt(jnp.maximum(neg2, 0.0) + 1e-12)
    hinge = jnp.maximum(0.0, ns - ps + MARGIN)
    acc_ref[0] += jnp.sum(hinge)

    @pl.when(i == TRIP_GRID - 1)
    def _fin():
        if final:
            out_ref[0] = (acc_ref[0] / B
                          + REG_W * (stats_ref[0] + stats_ref[1]))
        else:
            out_ref[0] = acc_ref[0]


def _score(half, final, hg, rg, tg, tcg, par, stats, prev):
    gspec = pl.BlockSpec((TRIP_BLK, 2 * DIM), lambda i: (i, 0))
    off = half * TRIP_GRID
    return pl.pallas_call(
        functools.partial(_score_body, final=final),
        grid=(TRIP_GRID,),
        in_specs=[
            gspec,
            pl.BlockSpec((TRIP_BLK, 2 * DIM), lambda i: (i + off, 0)),
            gspec, gspec,
            pl.BlockSpec((8, TRIP_BLK), lambda i: (0, i + off)),
            pl.BlockSpec(memory_space=pltpu.SMEM),
            pl.BlockSpec(memory_space=pltpu.SMEM),
        ],
        out_specs=pl.BlockSpec(memory_space=pltpu.SMEM),
        out_shape=jax.ShapeDtypeStruct((1,), jnp.float32),
        scratch_shapes=[pltpu.SMEM((1,), jnp.float32)],
    )(hg, rg, tg, tcg, par, stats, prev)


TAIL_C0 = NUM_ENT - ENT_BLK
TAIL_Q0 = NUM_QUAD - QUARTER


def _ent_quad_idx(e):
    off = e % ENT_BLK
    std_q = (e // ENT_BLK) * QUARTER + (off % QUARTER)
    std_k = off // QUARTER
    toff = e - TAIL_C0
    tail_q = TAIL_Q0 + (toff % QUARTER)
    tail_k = toff // QUARTER
    in_std = e < TAIL_C0
    q = jnp.where(in_std, std_q, tail_q)
    k = jnp.where(in_std, std_k, tail_k)
    return q, k >> 1, k & 1


def kernel(entity_table, relation_table, triplets, corrupted_triplets):
    heads = triplets[:, 0]
    rels = triplets[:, 1]
    tails = triplets[:, 2]
    ctails = corrupted_triplets[:, 2]

    ent_t = entity_table.T
    rel_pair = relation_table.reshape(NUM_REL // 2, 2 * DIM)

    rg = _sc_rel()(rel_pair, rels >> 1)

    quad_table, stats = _scan_repack(ent_t, rel_pair)

    hq, hh, hw = _ent_quad_idx(heads)
    tq_, th, tw = _ent_quad_idx(tails)
    cq, ch, cw = _ent_quad_idx(ctails)

    zero = jnp.zeros((B,), jnp.int32)
    par = jnp.stack([hh, hw, rels & 1, zero, th, tw, ch, cw],
                    axis=0).astype(jnp.float32)

    hg0, tg0, cg0 = _sc_ent()(quad_table, hq[:HALF_B], tq_[:HALF_B],
                              cq[:HALF_B])
    hg1, tg1, cg1 = _sc_ent()(quad_table, hq[HALF_B:], tq_[HALF_B:],
                              cq[HALF_B:])

    part = _score(0, False, hg0, rg, tg0, cg0, par, stats,
                  jnp.zeros((1,), jnp.float32))
    out = _score(1, True, hg1, rg, tg1, cg1, par, stats, part)
    return out[0]

# --- scband reference (transcript-rebuilt; emitter-appended) ---
"""Pipeline reference for scband-model-19628000543356 (READ-ONLY COPY).

The authoritative reference and input builder live on the scoring server;
editing this copy changes nothing except your own understanding.
"""

import jax, jax.numpy as jnp
import numpy as np

NUM_ENT = 1000000
NUM_REL = 500
DIM = 64
B = 16384
MARGIN = 1.0
REG_W = 0.01


def setup_inputs(seed: int = 0) -> dict:
    key = jax.random.key(seed)
    k1, k2, k3, k4, k5, k6 = jax.random.split(key, 6)
    bound = 6.0 / np.sqrt(DIM)
    entity_table = jax.random.uniform(k1, (NUM_ENT, DIM), minval=-bound, maxval=bound, dtype=jnp.float32)
    relation_table = jax.random.uniform(k2, (NUM_REL, DIM), minval=-bound, maxval=bound, dtype=jnp.float32)
    # norm_constraint=True: relation embeddings L1-normalized once at init (normalize(1))
    relation_table = relation_table / jnp.maximum(jnp.sum(jnp.abs(relation_table), axis=1, keepdims=True), 1e-12)
    heads = jax.random.randint(k3, (B,), 0, NUM_ENT, dtype=jnp.int32)
    rels = jax.random.randint(k4, (B,), 0, NUM_REL, dtype=jnp.int32)
    tails = jax.random.randint(k5, (B,), 0, NUM_ENT, dtype=jnp.int32)
    triplets = jnp.stack([heads, rels, tails], axis=1)
    # corrupted triplets: tail replaced by random entity
    corrupt_tails = jax.random.randint(k6, (B,), 0, NUM_ENT, dtype=jnp.int32)
    corrupted_triplets = jnp.stack([heads, rels, corrupt_tails], axis=1)
    return {
        "entity_table": entity_table,
        "relation_table": relation_table,
        "triplets": triplets,
        "corrupted_triplets": corrupted_triplets,
    }


def reference(entity_table, relation_table, triplets, corrupted_triplets):
    # forward step 1: norm_constraint -> L2-normalize entity embeddings (normalize(2))
    ent_n = entity_table / jnp.maximum(jnp.linalg.norm(entity_table, axis=1, keepdims=True), 1e-12)

    # TransE score function (concrete realization of abstract score_function):
    # score = -||h + r - t||_2  (higher = more plausible)
    def score(trip):
        h = jnp.take(ent_n, trip[:, 0], axis=0)
        r = jnp.take(relation_table, trip[:, 1], axis=0)
        t = jnp.take(ent_n, trip[:, 2], axis=0)
        return -jnp.sqrt(jnp.sum((h + r - t) ** 2, axis=1) + 1e-12)

    positive_scores = score(triplets)
    negative_scores = score(corrupted_triplets)

    # MarginRankingLoss with target = +1, reduction='mean':
    # mean(max(0, -(pos - neg) + margin))
    base_loss = jnp.mean(jnp.maximum(0.0, negative_scores - positive_scores + MARGIN))

    # l2 regularization: reg_weight * (||E||_2^2 + ||R||_2^2) on current (normalized) tables
    ent_norm_sq = jnp.sum(ent_n ** 2)
    rel_norm_sq = jnp.sum(relation_table ** 2)
    reg = REG_W * (ent_norm_sq + rel_norm_sq)

    return base_loss + reg

if __name__ == "__main__":
    import jax
    _d = setup_inputs()
    print(jax.jit(kernel)(*tuple(_d.values())))

</pallas_src>

<mosaic_0001>
#map = affine_map<(d0, d1) -> (0, 0)>
#map1 = affine_map<(d0, d1) -> (0)>
module attributes {stable_mosaic.version = 14 : i64} {
  func.func @_sc_ent_body(%arg0: i32, %arg1: i32, %arg2: memref<250000x128xf32, #tpu.memory_space<hbm>>, %arg3: memref<8192xi32, #tpu.memory_space<hbm>>, %arg4: memref<8192xi32, #tpu.memory_space<hbm>>, %arg5: memref<8192xi32, #tpu.memory_space<hbm>>, %arg6: memref<8192x128xf32, #tpu.memory_space<hbm>>, %arg7: memref<8192x128xf32, #tpu.memory_space<hbm>>, %arg8: memref<8192x128xf32, #tpu.memory_space<hbm>>, %arg9: memref<256xi32, #tpu.memory_space<vmem>>, %arg10: memref<256xi32, #tpu.memory_space<vmem>>, %arg11: memref<256xi32, #tpu.memory_space<vmem>>, %arg12: memref<128x128xf32, #tpu.memory_space<vmem>>, %arg13: memref<128x128xf32, #tpu.memory_space<vmem>>, %arg14: memref<!tpu.dma_semaphore, #tpu.memory_space<semaphore_mem>>, %arg15: memref<!tpu.dma_semaphore, #tpu.memory_space<semaphore_mem>>, %arg16: memref<!tpu.dma_semaphore, #tpu.memory_space<semaphore_mem>>) attributes {dimension_semantics = [#tpu.dimension_semantics<core_parallel>, #tpu.dimension_semantics<subcore_parallel>], iteration_bounds = array<i64: 2, 16>, scalar_prefetch = 0 : i64, scratch_operands = 8 : i64, tpu.core_type = #tpu.core_type<sc_vector_subcore>, window_params = [{transform_indices = #map}, {transform_indices = #map1}, {transform_indices = #map1}, {transform_indices = #map1}, {transform_indices = #map}, {transform_indices = #map}, {transform_indices = #map}]} {
    %mul3A = arith.constant 2 : i32
    %mul3A_0 = arith.muli %arg1, %mul3A : i32
    %add3A = arith.addi %mul3A_0, %arg0 : i32
    %mul3A_1 = arith.constant 256 : i32
    %mul3A_2 = arith.muli %add3A, %mul3A_1 : i32
    "tpu.region"() ({
      %run_scoped3A = tpu.sem_alloc : memref<!tpu.dma_semaphore, #tpu.memory_space<semaphore_mem>>
      %dma_start3A_121 = tpu.memref_slice %arg3[%mul3A_2] : memref<8192xi32, #tpu.memory_space<hbm>> -> memref<256xi32, #tpu.memory_space<hbm>>
      %dma_start3A_122 = tpu.memref_slice %arg3[%mul3A_2] : memref<8192xi32, #tpu.memory_space<hbm>> -> memref<256xi32, #tpu.memory_space<hbm>>
      tpu.enqueue_dma source(%dma_start3A_122 : memref<256xi32, #tpu.memory_space<hbm>>) target(%arg9 : memref<256xi32, #tpu.memory_space<vmem>>) target_semaphore(%run_scoped3A : memref<!tpu.dma_semaphore, #tpu.memory_space<semaphore_mem>>)
      %dma_wait3A_123 = tpu.memref_slice %arg3[%mul3A_2] : memref<8192xi32, #tpu.memory_space<hbm>> -> memref<256xi32, #tpu.memory_space<hbm>>
      %dma_wait3A_124 = tpu.memref_slice %arg3[%mul3A_2] : memref<8192xi32, #tpu.memory_space<hbm>> -> memref<256xi32, #tpu.memory_space<hbm>>
      tpu.wait_dma2 semaphore(%run_scoped3A : memref<!tpu.dma_semaphore, #tpu.memory_space<semaphore_mem>>) src(%dma_wait3A_124 : memref<256xi32, #tpu.memory_space<hbm>>) dst(%arg9 : memref<256xi32, #tpu.memory_space<vmem>>)
      tpu.yield
    }) : () -> ()
    "tpu.region"() ({
      %run_scoped3A = tpu.sem_alloc : memref<!tpu.dma_semaphore, #tpu.memory_space<semaphore_mem>>
      %dma_start3A_121 = tpu.memref_slice %arg4[%mul3A_2] : memref<8192xi32, #tpu.memory_space<hbm>> -> memref<256xi32, #tpu.memory_space<hbm>>
      %dma_start3A_122 = tpu.memref_slice %arg4[%mul3A_2] : memref<8192xi32, #tpu.memory_space<hbm>> -> memref<256xi32, #tpu.memory_space<hbm>>
      tpu.enqueue_dma source(%dma_start3A_122 : memref<256xi32, #tpu.memory_space<hbm>>) target(%arg10 : memref<256xi32, #tpu.memory_space<vmem>>) target_semaphore(%run_scoped3A : memref<!tpu.dma_semaphore, #tpu.memory_space<semaphore_mem>>)
      %dma_wait3A_123 = tpu.memref_slice %arg4[%mul3A_2] : memref<8192xi32, #tpu.memory_space<hbm>> -> memref<256xi32, #tpu.memory_space<hbm>>
      %dma_wait3A_124 = tpu.memref_slice %arg4[%mul3A_2] : memref<8192xi32, #tpu.memory_space<hbm>> -> memref<256xi32, #tpu.memory_space<hbm>>
      tpu.wait_dma2 semaphore(%run_scoped3A : memref<!tpu.dma_semaphore, #tpu.memory_space<semaphore_mem>>) src(%dma_wait3A_124 : memref<256xi32, #tpu.memory_space<hbm>>) dst(%arg10 : memref<256xi32, #tpu.memory_space<vmem>>)
      tpu.yield
    }) : () -> ()
    "tpu.region"() ({
      %run_scoped3A = tpu.sem_alloc : memref<!tpu.dma_semaphore, #tpu.memory_space<semaphore_mem>>
      %dma_start3A_121 = tpu.memref_slice %arg5[%mul3A_2] : memref<8192xi32, #tpu.memory_space<hbm>> -> memref<256xi32, #tpu.memory_space<hbm>>
      %dma_start3A_122 = tpu.memref_slice %arg5[%mul3A_2] : memref<8192xi32, #tpu.memory_space<hbm>> -> memref<256xi32, #tpu.memory_space<hbm>>
      tpu.enqueue_dma source(%dma_start3A_122 : memref<256xi32, #tpu.memory_space<hbm>>) target(%arg11 : memref<256xi32, #tpu.memory_space<vmem>>) target_semaphore(%run_scoped3A : memref<!tpu.dma_semaphore, #tpu.memory_space<semaphore_mem>>)
      %dma_wait3A_123 = tpu.memref_slice %arg5[%mul3A_2] : memref<8192xi32, #tpu.memory_space<hbm>> -> memref<256xi32, #tpu.memory_space<hbm>>
      %dma_wait3A_124 = tpu.memref_slice %arg5[%mul3A_2] : memref<8192xi32, #tpu.memory_space<hbm>> -> memref<256xi32, #tpu.memory_space<hbm>>
      tpu.wait_dma2 semaphore(%run_scoped3A : memref<!tpu.dma_semaphore, #tpu.memory_space<semaphore_mem>>) src(%dma_wait3A_124 : memref<256xi32, #tpu.memory_space<hbm>>) dst(%arg11 : memref<256xi32, #tpu.memory_space<vmem>>)
      tpu.yield
    }) : () -> ()
    %dma_start3A = arith.constant 0 : i32
    %dma_start3A_3 = tpu.memref_slice %arg9[%dma_start3A] : memref<256xi32, #tpu.memory_space<vmem>> -> memref<128xi32, #tpu.memory_space<vmem>>
    %dma_start3A_4 = arith.constant 0 : i32
    %dma_start3A_5 = arith.constant 0 : i32
    %dma_start3A_6 = tpu.memref_slice %arg2[%dma_start3A_4, %dma_start3A_5] : memref<250000x128xf32, #tpu.memory_space<hbm>> -> memref<250000x128xf32, #tpu.memory_space<hbm>>
    tpu.enqueue_indirect_dma source(%dma_start3A_6 : memref<250000x128xf32, #tpu.memory_space<hbm>>) target(%arg12 : memref<128x128xf32, #tpu.memory_space<vmem>>) offsets(%dma_start3A_3 : memref<128xi32, #tpu.memory_space<vmem>>) semaphore(%arg14 : memref<!tpu.dma_semaphore, #tpu.memory_space<semaphore_mem>>)
    %dma_wait3A = arith.constant 0 : i32
    %dma_wait3A_7 = tpu.memref_slice %arg9[%dma_wait3A] : memref<256xi32, #tpu.memory_space<vmem>> -> memref<128xi32, #tpu.memory_space<vmem>>
    %dma_wait3A_8 = arith.constant 0 : i32
    %dma_wait3A_9 = arith.constant 0 : i32
    %dma_wait3A_10 = tpu.memref_slice %arg2[%dma_wait3A_8, %dma_wait3A_9] : memref<250000x128xf32, #tpu.memory_space<hbm>> -> memref<250000x128xf32, #tpu.memory_space<hbm>>
    tpu.wait_indirect_dma semaphore(%arg14 : memref<!tpu.dma_semaphore, #tpu.memory_space<semaphore_mem>>) src(%dma_wait3A_10 : memref<250000x128xf32, #tpu.memory_space<hbm>>) dst(%arg12 : memref<128x128xf32, #tpu.memory_space<vmem>>)
    %dma_start3A_11 = arith.constant 128 : i32
    %dma_start3A_12 = tpu.memref_slice %arg9[%dma_start3A_11] : memref<256xi32, #tpu.memory_space<vmem>> -> memref<128xi32, #tpu.memory_space<vmem>>
    %dma_start3A_13 = arith.constant 0 : i32
    %dma_start3A_14 = arith.constant 0 : i32
    %dma_start3A_15 = tpu.memref_slice %arg2[%dma_start3A_13, %dma_start3A_14] : memref<250000x128xf32, #tpu.memory_space<hbm>> -> memref<250000x128xf32, #tpu.memory_space<hbm>>
    tpu.enqueue_indirect_dma source(%dma_start3A_15 : memref<250000x128xf32, #tpu.memory_space<hbm>>) target(%arg13 : memref<128x128xf32, #tpu.memory_space<vmem>>) offsets(%dma_start3A_12 : memref<128xi32, #tpu.memory_space<vmem>>) semaphore(%arg14 : memref<!tpu.dma_semaphore, #tpu.memory_space<semaphore_mem>>)
    %add3A_16 = arith.constant 0 : i32
    %add3A_17 = arith.addi %mul3A_2, %add3A_16 : i32
    %dma_start3A_18 = arith.constant 0 : i32
    %dma_start3A_19 = tpu.memref_slice %arg6[%add3A_17, %dma_start3A_18] : memref<8192x128xf32, #tpu.memory_space<hbm>> -> memref<128x128xf32, #tpu.memory_space<hbm>>
    %dma_start3A_20 = arith.constant 0 : i32
    %dma_start3A_21 = tpu.memref_slice %arg6[%add3A_17, %dma_start3A_20] : memref<8192x128xf32, #tpu.memory_space<hbm>> -> memref<128x128xf32, #tpu.memory_space<hbm>>
    tpu.enqueue_dma source(%arg12 : memref<128x128xf32, #tpu.memory_space<vmem>>) target(%dma_start3A_21 : memref<128x128xf32, #tpu.memory_space<hbm>>) target_semaphore(%arg15 : memref<!tpu.dma_semaphore, #tpu.memory_space<semaphore_mem>>)
    %dma_wait3A_22 = arith.constant 128 : i32
    %dma_wait3A_23 = tpu.memref_slice %arg9[%dma_wait3A_22] : memref<256xi32, #tpu.memory_space<vmem>> -> memref<128xi32, #tpu.memory_space<vmem>>
    %dma_wait3A_24 = arith.constant 0 : i32
    %dma_wait3A_25 = arith.constant 0 : i32
    %dma_wait3A_26 = tpu.memref_slice %arg2[%dma_wait3A_24, %dma_wait3A_25] : memref<250000x128xf32, #tpu.memory_space<hbm>> -> memref<250000x128xf32, #tpu.memory_space<hbm>>
    tpu.wait_indirect_dma semaphore(%arg14 : memref<!tpu.dma_semaphore, #tpu.memory_space<semaphore_mem>>) src(%dma_wait3A_26 : memref<250000x128xf32, #tpu.memory_space<hbm>>) dst(%arg13 : memref<128x128xf32, #tpu.memory_space<vmem>>)
    %dma_wait3A_27 = arith.constant 0 : i32
    %dma_wait3A_28 = tpu.memref_slice %arg6[%add3A_17, %dma_wait3A_27] : memref<8192x128xf32, #tpu.memory_space<hbm>> -> memref<128x128xf32, #tpu.memory_space<hbm>>
    %dma_wait3A_29 = arith.constant 0 : i32
    %dma_wait3A_30 = tpu.memref_slice %arg6[%add3A_17, %dma_wait3A_29] : memref<8192x128xf32, #tpu.memory_space<hbm>> -> memref<128x128xf32, #tpu.memory_space<hbm>>
    tpu.wait_dma2 semaphore(%arg15 : memref<!tpu.dma_semaphore, #tpu.memory_space<semaphore_mem>>) src(%arg12 : memref<128x128xf32, #tpu.memory_space<vmem>>) dst(%dma_wait3A_30 : memref<128x128xf32, #tpu.memory_space<hbm>>)
    %dma_start3A_31 = arith.constant 0 : i32
    %dma_start3A_32 = tpu.memref_slice %arg10[%dma_start3A_31] : memref<256xi32, #tpu.memory_space<vmem>> -> memref<128xi32, #tpu.memory_space<vmem>>
    %dma_start3A_33 = arith.constant 0 : i32
    %dma_start3A_34 = arith.constant 0 : i32
    %dma_start3A_35 = tpu.memref_slice %arg2[%dma_start3A_33, %dma_start3A_34] : memref<250000x128xf32, #tpu.memory_space<hbm>> -> memref<250000x128xf32, #tpu.memory_space<hbm>>
    tpu.enqueue_indirect_dma source(%dma_start3A_35 : memref<250000x128xf32, #tpu.memory_space<hbm>>) target(%arg12 : memref<128x128xf32, #tpu.memory_space<vmem>>) offsets(%dma_start3A_32 : memref<128xi32, #tpu.memory_space<vmem>>) semaphore(%arg14 : memref<!tpu.dma_semaphore, #tpu.memory_space<semaphore_mem>>)
    %add3A_36 = arith.constant 128 : i32
    %add3A_37 = arith.addi %mul3A_2, %add3A_36 : i32
    %dma_start3A_38 = arith.constant 0 : i32
    %dma_start3A_39 = tpu.memref_slice %arg6[%add3A_37, %dma_start3A_38] : memref<8192x128xf32, #tpu.memory_space<hbm>> -> memref<128x128xf32, #tpu.memory_space<hbm>>
    %dma_start3A_40 = arith.constant 0 : i32
    %dma_start3A_41 = tpu.memref_slice %arg6[%add3A_37, %dma_start3A_40] : memref<8192x128xf32, #tpu.memory_space<hbm>> -> memref<128x128xf32, #tpu.memory_space<hbm>>
    tpu.enqueue_dma source(%arg13 : memref<128x128xf32, #tpu.memory_space<vmem>>) target(%dma_start3A_41 : memref<128x128xf32, #tpu.memory_space<hbm>>) target_semaphore(%arg16 : memref<!tpu.dma_semaphore, #tpu.memory_space<semaphore_mem>>)
    %dma_wait3A_42 = arith.constant 0 : i32
    %dma_wait3A_43 = tpu.memref_slice %arg10[%dma_wait3A_42] : memref<256xi32, #tpu.memory_space<vmem>> -> memref<128xi32, #tpu.memory_space<vmem>>
    %dma_wait3A_44 = arith.constant 0 : i32
    %dma_wait3A_45 = arith.constant 0 : i32
    %dma_wait3A_46 = tpu.memref_slice %arg2[%dma_wait3A_44, %dma_wait3A_45] : memref<250000x128xf32, #tpu.memory_space<hbm>> -> memref<250000x128xf32, #tpu.memory_space<hbm>>
    tpu.wait_indirect_dma semaphore(%arg14 : memref<!tpu.dma_semaphore, #tpu.memory_space<semaphore_mem>>) src(%dma_wait3A_46 : memref<250000x128xf32, #tpu.memory_space<hbm>>) dst(%arg12 : memref<128x128xf32, #tpu.memory_space<vmem>>)
    %dma_wait3A_47 = arith.constant 0 : i32
    %dma_wait3A_48 = tpu.memref_slice %arg6[%add3A_37, %dma_wait3A_47] : memref<8192x128xf32, #tpu.memory_space<hbm>> -> memref<128x128xf32, #tpu.memory_space<hbm>>
    %dma_wait3A_49 = arith.constant 0 : i32
    %dma_wait3A_50 = tpu.memref_slice %arg6[%add3A_37, %dma_wait3A_49] : memref<8192x128xf32, #tpu.memory_space<hbm>> -> memref<128x128xf32, #tpu.memory_space<hbm>>
    tpu.wait_dma2 semaphore(%arg16 : memref<!tpu.dma_semaphore, #tpu.memory_space<semaphore_mem>>) src(%arg13 : memref<128x128xf32, #tpu.memory_space<vmem>>) dst(%dma_wait3A_50 : memref<128x128xf32, #tpu.memory_space<hbm>>)
    %dma_start3A_51 = arith.constant 128 : i32
    %dma_start3A_52 = tpu.memref_slice %arg10[%dma_start3A_51] : memref<256xi32, #tpu.memory_space<vmem>> -> memref<128xi32, #tpu.memory_space<vmem>>
    %dma_start3A_53 = arith.constant 0 : i32
    %dma_start3A_54 = arith.constant 0 : i32
    %dma_start3A_55 = tpu.memref_slice %arg2[%dma_start3A_53, %dma_start3A_54] : memref<250000x128xf32, #tpu.memory_space<hbm>> -> memref<250000x128xf32, #tpu.memory_space<hbm>>
    tpu.enqueue_indirect_dma source(%dma_start3A_55 : memref<250000x128xf32, #tpu.memory_space<hbm>>) target(%arg13 : memref<128x128xf32, #tpu.memory_space<vmem>>) offsets(%dma_start3A_52 : memref<128xi32, #tpu.memory_space<vmem>>) semaphore(%arg14 : memref<!tpu.dma_semaphore, #tpu.memory_space<semaphore_mem>>)
    %add3A_56 = arith.constant 0 : i32
    %add3A_57 = arith.addi %mul3A_2, %add3A_56 : i32
    %dma_start3A_58 = arith.constant 0 : i32
    %dma_start3A_59 = tpu.memref_slice %arg7[%add3A_57, %dma_start3A_58] : memref<8192x128xf32, #tpu.memory_space<hbm>> -> memref<128x128xf32, #tpu.memory_space<hbm>>
    %dma_start3A_60 = arith.constant 0 : i32
    %dma_start3A_61 = tpu.memref_slice %arg7[%add3A_57, %dma_start3A_60] : memref<8192x128xf32, #tpu.memory_space<hbm>> -> memref<128x128xf32, #tpu.memory_space<hbm>>
    tpu.enqueue_dma source(%arg12 : memref<128x128xf32, #tpu.memory_space<vmem>>) target(%dma_start3A_61 : memref<128x128xf32, #tpu.memory_space<hbm>>) target_semaphore(%arg15 : memref<!tpu.dma_semaphore, #tpu.memory_space<semaphore_mem>>)
    %dma_wait3A_62 = arith.constant 128 : i32
    %dma_wait3A_63 = tpu.memref_slice %arg10[%dma_wait3A_62] : memref<256xi32, #tpu.memory_space<vmem>> -> memref<128xi32, #tpu.memory_space<vmem>>
    %dma_wait3A_64 = arith.constant 0 : i32
    %dma_wait3A_65 = arith.constant 0 : i32
    %dma_wait3A_66 = tpu.memref_slice %arg2[%dma_wait3A_64, %dma_wait3A_65] : memref<250000x128xf32, #tpu.memory_space<hbm>> -> memref<250000x128xf32, #tpu.memory_space<hbm>>
    tpu.wait_indirect_dma semaphore(%arg14 : memref<!tpu.dma_semaphore, #tpu.memory_space<semaphore_mem>>) src(%dma_wait3A_66 : memref<250000x128xf32, #tpu.memory_space<hbm>>) dst(%arg13 : memref<128x128xf32, #tpu.memory_space<vmem>>)
    %dma_wait3A_67 = arith.constant 0 : i32
    %dma_wait3A_68 = tpu.memref_slice %arg7[%add3A_57, %dma_wait3A_67] : memref<8192x128xf32, #tpu.memory_space<hbm>> -> memref<128x128xf32, #tpu.memory_space<hbm>>
    %dma_wait3A_69 = arith.constant 0 : i32
    %dma_wait3A_70 = tpu.memref_slice %arg7[%add3A_57, %dma_wait3A_69] : memref<8192x128xf32, #tpu.memory_space<hbm>> -> memref<128x128xf32, #tpu.memory_space<hbm>>
    tpu.wait_dma2 semaphore(%arg15 : memref<!tpu.dma_semaphore, #tpu.memory_space<semaphore_mem>>) src(%arg12 : memref<128x128xf32, #tpu.memory_space<vmem>>) dst(%dma_wait3A_70 : memref<128x128xf32, #tpu.memory_space<hbm>>)
    %dma_start3A_71 = arith.constant 0 : i32
    %dma_start3A_72 = tpu.memref_slice %arg11[%dma_start3A_71] : memref<256xi32, #tpu.memory_space<vmem>> -> memref<128xi32, #tpu.memory_space<vmem>>
    %dma_start3A_73 = arith.constant 0 : i32
    %dma_start3A_74 = arith.constant 0 : i32
    %dma_start3A_75 = tpu.memref_slice %arg2[%dma_start3A_73, %dma_start3A_74] : memref<250000x128xf32, #tpu.memory_space<hbm>> -> memref<250000x128xf32, #tpu.memory_space<hbm>>
    tpu.enqueue_indirect_dma source(%dma_start3A_75 : memref<250000x128xf32, #tpu.memory_space<hbm>>) target(%arg12 : memref<128x128xf32, #tpu.memory_space<vmem>>) offsets(%dma_start3A_72 : memref<128xi32, #tpu.memory_space<vmem>>) semaphore(%arg14 : memref<!tpu.dma_semaphore, #tpu.memory_space<semaphore_mem>>)
    %add3A_76 = arith.constant 128 : i32
    %add3A_77 = arith.addi %mul3A_2, %add3A_76 : i32
    %dma_start3A_78 = arith.constant 0 : i32
    %dma_start3A_79 = tpu.memref_slice %arg7[%add3A_77, %dma_start3A_78] : memref<8192x128xf32, #tpu.memory_space<hbm>> -> memref<128x128xf32, #tpu.memory_space<hbm>>
    %dma_start3A_80 = arith.constant 0 : i32
    %dma_start3A_81 = tpu.memref_slice %arg7[%add3A_77, %dma_start3A_80] : memref<8192x128xf32, #tpu.memory_space<hbm>> -> memref<128x128xf32, #tpu.memory_space<hbm>>
    tpu.enqueue_dma source(%arg13 : memref<128x128xf32, #tpu.memory_space<vmem>>) target(%dma_start3A_81 : memref<128x128xf32, #tpu.memory_space<hbm>>) target_semaphore(%arg16 : memref<!tpu.dma_semaphore, #tpu.memory_space<semaphore_mem>>)
    %dma_wait3A_82 = arith.constant 0 : i32
    %dma_wait3A_83 = tpu.memref_slice %arg11[%dma_wait3A_82] : memref<256xi32, #tpu.memory_space<vmem>> -> memref<128xi32, #tpu.memory_space<vmem>>
    %dma_wait3A_84 = arith.constant 0 : i32
    %dma_wait3A_85 = arith.constant 0 : i32
    %dma_wait3A_86 = tpu.memref_slice %arg2[%dma_wait3A_84, %dma_wait3A_85] : memref<250000x128xf32, #tpu.memory_space<hbm>> -> memref<250000x128xf32, #tpu.memory_space<hbm>>
    tpu.wait_indirect_dma semaphore(%arg14 : memref<!tpu.dma_semaphore, #tpu.memory_space<semaphore_mem>>) src(%dma_wait3A_86 : memref<250000x128xf32, #tpu.memory_space<hbm>>) dst(%arg12 : memref<128x128xf32, #tpu.memory_space<vmem>>)
    %dma_wait3A_87 = arith.constant 0 : i32
    %dma_wait3A_88 = tpu.memref_slice %arg7[%add3A_77, %dma_wait3A_87] : memref<8192x128xf32, #tpu.memory_space<hbm>> -> memref<128x128xf32, #tpu.memory_space<hbm>>
    %dma_wait3A_89 = arith.constant 0 : i32
    %dma_wait3A_90 = tpu.memref_slice %arg7[%add3A_77, %dma_wait3A_89] : memref<8192x128xf32, #tpu.memory_space<hbm>> -> memref<128x128xf32, #tpu.memory_space<hbm>>
    tpu.wait_dma2 semaphore(%arg16 : memref<!tpu.dma_semaphore, #tpu.memory_space<semaphore_mem>>) src(%arg13 : memref<128x128xf32, #tpu.memory_space<vmem>>) dst(%dma_wait3A_90 : memref<128x128xf32, #tpu.memory_space<hbm>>)
    %dma_start3A_91 = arith.constant 128 : i32
    %dma_start3A_92 = tpu.memref_slice %arg11[%dma_start3A_91] : memref<256xi32, #tpu.memory_space<vmem>> -> memref<128xi32, #tpu.memory_space<vmem>>
    %dma_start3A_93 = arith.constant 0 : i32
    %dma_start3A_94 = arith.constant 0 : i32
    %dma_start3A_95 = tpu.memref_slice %arg2[%dma_start3A_93, %dma_start3A_94] : memref<250000x128xf32, #tpu.memory_space<hbm>> -> memref<250000x128xf32, #tpu.memory_space<hbm>>
    tpu.enqueue_indirect_dma source(%dma_start3A_95 : memref<250000x128xf32, #tpu.memory_space<hbm>>) target(%arg13 : memref<128x128xf32, #tpu.memory_space<vmem>>) offsets(%dma_start3A_92 : memref<128xi32, #tpu.memory_space<vmem>>) semaphore(%arg14 : memref<!tpu.dma_semaphore, #tpu.memory_space<semaphore_mem>>)
    %add3A_96 = arith.constant 0 : i32
    %add3A_97 = arith.addi %mul3A_2, %add3A_96 : i32
    %dma_start3A_98 = arith.constant 0 : i32
    %dma_start3A_99 = tpu.memref_slice %arg8[%add3A_97, %dma_start3A_98] : memref<8192x128xf32, #tpu.memory_space<hbm>> -> memref<128x128xf32, #tpu.memory_space<hbm>>
    %dma_start3A_100 = arith.constant 0 : i32
    %dma_start3A_101 = tpu.memref_slice %arg8[%add3A_97, %dma_start3A_100] : memref<8192x128xf32, #tpu.memory_space<hbm>> -> memref<128x128xf32, #tpu.memory_space<hbm>>
    tpu.enqueue_dma source(%arg12 : memref<128x128xf32, #tpu.memory_space<vmem>>) target(%dma_start3A_101 : memref<128x128xf32, #tpu.memory_space<hbm>>) target_semaphore(%arg15 : memref<!tpu.dma_semaphore, #tpu.memory_space<semaphore_mem>>)
    %dma_wait3A_102 = arith.constant 128 : i32
    %dma_wait3A_103 = tpu.memref_slice %arg11[%dma_wait3A_102] : memref<256xi32, #tpu.memory_space<vmem>> -> memref<128xi32, #tpu.memory_space<vmem>>
    %dma_wait3A_104 = arith.constant 0 : i32
    %dma_wait3A_105 = arith.constant 0 : i32
    %dma_wait3A_106 = tpu.memref_slice %arg2[%dma_wait3A_104, %dma_wait3A_105] : memref<250000x128xf32, #tpu.memory_space<hbm>> -> memref<250000x128xf32, #tpu.memory_space<hbm>>
    tpu.wait_indirect_dma semaphore(%arg14 : memref<!tpu.dma_semaphore, #tpu.memory_space<semaphore_mem>>) src(%dma_wait3A_106 : memref<250000x128xf32, #tpu.memory_space<hbm>>) dst(%arg13 : memref<128x128xf32, #tpu.memory_space<vmem>>)
    %add3A_107 = arith.constant 128 : i32
    %add3A_108 = arith.addi %mul3A_2, %add3A_107 : i32
    %dma_start3A_109 = arith.constant 0 : i32
    %dma_start3A_110 = tpu.memref_slice %arg8[%add3A_108, %dma_start3A_109] : memref<8192x128xf32, #tpu.memory_space<hbm>> -> memref<128x128xf32, #tpu.memory_space<hbm>>
    %dma_start3A_111 = arith.constant 0 : i32
    %dma_start3A_112 = tpu.memref_slice %arg8[%add3A_108, %dma_start3A_111] : memref<8192x128xf32, #tpu.memory_space<hbm>> -> memref<128x128xf32, #tpu.memory_space<hbm>>
    tpu.enqueue_dma source(%arg13 : memref<128x128xf32, #tpu.memory_space<vmem>>) target(%dma_start3A_112 : memref<128x128xf32, #tpu.memory_space<hbm>>) target_semaphore(%arg16 : memref<!tpu.dma_semaphore, #tpu.memory_space<semaphore_mem>>)
    %dma_wait3A_113 = arith.constant 0 : i32
    %dma_wait3A_114 = tpu.memref_slice %arg8[%add3A_97, %dma_wait3A_113] : memref<8192x128xf32, #tpu.memory_space<hbm>> -> memref<128x128xf32, #tpu.memory_space<hbm>>
    %dma_wait3A_115 = arith.constant 0 : i32
    %dma_wait3A_116 = tpu.memref_slice %arg8[%add3A_97, %dma_wait3A_115] : memref<8192x128xf32, #tpu.memory_space<hbm>> -> memref<128x128xf32, #tpu.memory_space<hbm>>
    tpu.wait_dma2 semaphore(%arg15 : memref<!tpu.dma_semaphore, #tpu.memory_space<semaphore_mem>>) src(%arg12 : memref<128x128xf32, #tpu.memory_space<vmem>>) dst(%dma_wait3A_116 : memref<128x128xf32, #tpu.memory_space<hbm>>)
    %dma_wait3A_117 = arith.constant 0 : i32
    %dma_wait3A_118 = tpu.memref_slice %arg8[%add3A_108, %dma_wait3A_117] : memref<8192x128xf32, #tpu.memory_space<hbm>> -> memref<128x128xf32, #tpu.memory_space<hbm>>
    %dma_wait3A_119 = arith.constant 0 : i32
    %dma_wait3A_120 = tpu.memref_slice %arg8[%add3A_108, %dma_wait3A_119] : memref<8192x128xf32, #tpu.memory_space<hbm>> -> memref<128x128xf32, #tpu.memory_space<hbm>>
    tpu.wait_dma2 semaphore(%arg16 : memref<!tpu.dma_semaphore, #tpu.memory_space<semaphore_mem>>) src(%arg13 : memref<128x128xf32, #tpu.memory_space<vmem>>) dst(%dma_wait3A_120 : memref<128x128xf32, #tpu.memory_space<hbm>>)
    return
  }
}

#map = affine_map<(d0, d1) -> (0, 0)>
#map1 = affine_map<(d0, d1) -> (0)>
module attributes {stable_mosaic.version = 14 : i64} {
  func.func @_sc_rel_body(%arg0: i32, %arg1: i32, %arg2: memref<250x128xf32, #tpu.memory_space<hbm>>, %arg3: memref<16384xi32, #tpu.memory_space<hbm>>, %arg4: memref<16384x128xf32, #tpu.memory_space<hbm>>, %arg5: memref<512xi32, #tpu.memory_space<vmem>>, %arg6: memref<256x128xf32, #tpu.memory_space<vmem>>, %arg7: memref<256x128xf32, #tpu.memory_space<vmem>>, %arg8: memref<!tpu.dma_semaphore, #tpu.memory_space<semaphore_mem>>, %arg9: memref<!tpu.dma_semaphore, #tpu.memory_space<semaphore_mem>>, %arg10: memref<!tpu.dma_semaphore, #tpu.memory_space<semaphore_mem>>) attributes {dimension_semantics = [#tpu.dimension_semantics<core_parallel>, #tpu.dimension_semantics<subcore_parallel>], iteration_bounds = array<i64: 2, 16>, scalar_prefetch = 0 : i64, scratch_operands = 6 : i64, tpu.core_type = #tpu.core_type<sc_vector_subcore>, window_params = [{transform_indices = #map}, {transform_indices = #map1}, {transform_indices = #map}]} {
    %mul3A = arith.constant 2 : i32
    %mul3A_0 = arith.muli %arg1, %mul3A : i32
    %add3A = arith.addi %mul3A_0, %arg0 : i32
    %mul3A_1 = arith.constant 512 : i32
    %mul3A_2 = arith.muli %add3A, %mul3A_1 : i32
    "tpu.region"() ({
      %run_scoped3A = tpu.sem_alloc : memref<!tpu.dma_semaphore, #tpu.memory_space<semaphore_mem>>
      %dma_start3A_41 = tpu.memref_slice %arg3[%mul3A_2] : memref<16384xi32, #tpu.memory_space<hbm>> -> memref<512xi32, #tpu.memory_space<hbm>>
      %dma_start3A_42 = tpu.memref_slice %arg3[%mul3A_2] : memref<16384xi32, #tpu.memory_space<hbm>> -> memref<512xi32, #tpu.memory_space<hbm>>
      tpu.enqueue_dma source(%dma_start3A_42 : memref<512xi32, #tpu.memory_space<hbm>>) target(%arg5 : memref<512xi32, #tpu.memory_space<vmem>>) target_semaphore(%run_scoped3A : memref<!tpu.dma_semaphore, #tpu.memory_space<semaphore_mem>>)
      %dma_wait3A_43 = tpu.memref_slice %arg3[%mul3A_2] : memref<16384xi32, #tpu.memory_space<hbm>> -> memref<512xi32, #tpu.memory_space<hbm>>
      %dma_wait3A_44 = tpu.memref_slice %arg3[%mul3A_2] : memref<16384xi32, #tpu.memory_space<hbm>> -> memref<512xi32, #tpu.memory_space<hbm>>
      tpu.wait_dma2 semaphore(%run_scoped3A : memref<!tpu.dma_semaphore, #tpu.memory_space<semaphore_mem>>) src(%dma_wait3A_44 : memref<512xi32, #tpu.memory_space<hbm>>) dst(%arg5 : memref<512xi32, #tpu.memory_space<vmem>>)
      tpu.yield
    }) : () -> ()
    %dma_start3A = arith.constant 0 : i32
    %dma_start3A_3 = tpu.memref_slice %arg5[%dma_start3A] : memref<512xi32, #tpu.memory_space<vmem>> -> memref<256xi32, #tpu.memory_space<vmem>>
    %dma_start3A_4 = arith.constant 0 : i32
    %dma_start3A_5 = arith.constant 0 : i32
    %dma_start3A_6 = tpu.memref_slice %arg2[%dma_start3A_4, %dma_start3A_5] : memref<250x128xf32, #tpu.memory_space<hbm>> -> memref<250x128xf32, #tpu.memory_space<hbm>>
    tpu.enqueue_indirect_dma source(%dma_start3A_6 : memref<250x128xf32, #tpu.memory_space<hbm>>) target(%arg6 : memref<256x128xf32, #tpu.memory_space<vmem>>) offsets(%dma_start3A_3 : memref<256xi32, #tpu.memory_space<vmem>>) semaphore(%arg8 : memref<!tpu.dma_semaphore, #tpu.memory_space<semaphore_mem>>)
    %dma_wait3A = arith.constant 0 : i32
    %dma_wait3A_7 = tpu.memref_slice %arg5[%dma_wait3A] : memref<512xi32, #tpu.memory_space<vmem>> -> memref<256xi32, #tpu.memory_space<vmem>>
    %dma_wait3A_8 = arith.constant 0 : i32
    %dma_wait3A_9 = arith.constant 0 : i32
    %dma_wait3A_10 = tpu.memref_slice %arg2[%dma_wait3A_8, %dma_wait3A_9] : memref<250x128xf32, #tpu.memory_space<hbm>> -> memref<250x128xf32, #tpu.memory_space<hbm>>
    tpu.wait_indirect_dma semaphore(%arg8 : memref<!tpu.dma_semaphore, #tpu.memory_space<semaphore_mem>>) src(%dma_wait3A_10 : memref<250x128xf32, #tpu.memory_space<hbm>>) dst(%arg6 : memref<256x128xf32, #tpu.memory_space<vmem>>)
    %dma_start3A_11 = arith.constant 256 : i32
    %dma_start3A_12 = tpu.memref_slice %arg5[%dma_start3A_11] : memref<512xi32, #tpu.memory_space<vmem>> -> memref<256xi32, #tpu.memory_space<vmem>>
    %dma_start3A_13 = arith.constant 0 : i32
    %dma_start3A_14 = arith.constant 0 : i32
    %dma_start3A_15 = tpu.memref_slice %arg2[%dma_start3A_13, %dma_start3A_14] : memref<250x128xf32, #tpu.memory_space<hbm>> -> memref<250x128xf32, #tpu.memory_space<hbm>>
    tpu.enqueue_indirect_dma source(%dma_start3A_15 : memref<250x128xf32, #tpu.memory_space<hbm>>) target(%arg7 : memref<256x128xf32, #tpu.memory_space<vmem>>) offsets(%dma_start3A_12 : memref<256xi32, #tpu.memory_space<vmem>>) semaphore(%arg8 : memref<!tpu.dma_semaphore, #tpu.memory_space<semaphore_mem>>)
    %add3A_16 = arith.constant 0 : i32
    %add3A_17 = arith.addi %mul3A_2, %add3A_16 : i32
    %dma_start3A_18 = arith.constant 0 : i32
    %dma_start3A_19 = tpu.memref_slice %arg4[%add3A_17, %dma_start3A_18] : memref<16384x128xf32, #tpu.memory_space<hbm>> -> memref<256x128xf32, #tpu.memory_space<hbm>>
    %dma_start3A_20 = arith.constant 0 : i32
    %dma_start3A_21 = tpu.memref_slice %arg4[%add3A_17, %dma_start3A_20] : memref<16384x128xf32, #tpu.memory_space<hbm>> -> memref<256x128xf32, #tpu.memory_space<hbm>>
    tpu.enqueue_dma source(%arg6 : memref<256x128xf32, #tpu.memory_space<vmem>>) target(%dma_start3A_21 : memref<256x128xf32, #tpu.memory_space<hbm>>) target_semaphore(%arg9 : memref<!tpu.dma_semaphore, #tpu.memory_space<semaphore_mem>>)
    %dma_wait3A_22 = arith.constant 256 : i32
    %dma_wait3A_23 = tpu.memref_slice %arg5[%dma_wait3A_22] : memref<512xi32, #tpu.memory_space<vmem>> -> memref<256xi32, #tpu.memory_space<vmem>>
    %dma_wait3A_24 = arith.constant 0 : i32
    %dma_wait3A_25 = arith.constant 0 : i32
    %dma_wait3A_26 = tpu.memref_slice %arg2[%dma_wait3A_24, %dma_wait3A_25] : memref<250x128xf32, #tpu.memory_space<hbm>> -> memref<250x128xf32, #tpu.memory_space<hbm>>
    tpu.wait_indirect_dma semaphore(%arg8 : memref<!tpu.dma_semaphore, #tpu.memory_space<semaphore_mem>>) src(%dma_wait3A_26 : memref<250x128xf32, #tpu.memory_space<hbm>>) dst(%arg7 : memref<256x128xf32, #tpu.memory_space<vmem>>)
    %add3A_27 = arith.constant 256 : i32
    %add3A_28 = arith.addi %mul3A_2, %add3A_27 : i32
    %dma_start3A_29 = arith.constant 0 : i32
    %dma_start3A_30 = tpu.memref_slice %arg4[%add3A_28, %dma_start3A_29] : memref<16384x128xf32, #tpu.memory_space<hbm>> -> memref<256x128xf32, #tpu.memory_space<hbm>>
    %dma_start3A_31 = arith.constant 0 : i32
    %dma_start3A_32 = tpu.memref_slice %arg4[%add3A_28, %dma_start3A_31] : memref<16384x128xf32, #tpu.memory_space<hbm>> -> memref<256x128xf32, #tpu.memory_space<hbm>>
    tpu.enqueue_dma source(%arg7 : memref<256x128xf32, #tpu.memory_space<vmem>>) target(%dma_start3A_32 : memref<256x128xf32, #tpu.memory_space<hbm>>) target_semaphore(%arg10 : memref<!tpu.dma_semaphore, #tpu.memory_space<semaphore_mem>>)
    %dma_wait3A_33 = arith.constant 0 : i32
    %dma_wait3A_34 = tpu.memref_slice %arg4[%add3A_17, %dma_wait3A_33] : memref<16384x128xf32, #tpu.memory_space<hbm>> -> memref<256x128xf32, #tpu.memory_space<hbm>>
    %dma_wait3A_35 = arith.constant 0 : i32
    %dma_wait3A_36 = tpu.memref_slice %arg4[%add3A_17, %dma_wait3A_35] : memref<16384x128xf32, #tpu.memory_space<hbm>> -> memref<256x128xf32, #tpu.memory_space<hbm>>
    tpu.wait_dma2 semaphore(%arg9 : memref<!tpu.dma_semaphore, #tpu.memory_space<semaphore_mem>>) src(%arg6 : memref<256x128xf32, #tpu.memory_space<vmem>>) dst(%dma_wait3A_36 : memref<256x128xf32, #tpu.memory_space<hbm>>)
    %dma_wait3A_37 = arith.constant 0 : i32
    %dma_wait3A_38 = tpu.memref_slice %arg4[%add3A_28, %dma_wait3A_37] : memref<16384x128xf32, #tpu.memory_space<hbm>> -> memref<256x128xf32, #tpu.memory_space<hbm>>
    %dma_wait3A_39 = arith.constant 0 : i32
    %dma_wait3A_40 = tpu.memref_slice %arg4[%add3A_28, %dma_wait3A_39] : memref<16384x128xf32, #tpu.memory_space<hbm>> -> memref<256x128xf32, #tpu.memory_space<hbm>>
    tpu.wait_dma2 semaphore(%arg10 : memref<!tpu.dma_semaphore, #tpu.memory_space<semaphore_mem>>) src(%arg7 : memref<256x128xf32, #tpu.memory_space<vmem>>) dst(%dma_wait3A_40 : memref<256x128xf32, #tpu.memory_space<hbm>>)
    return
  }
}

#map = affine_map<(d0, d1) -> (0, 0)>
#map1 = affine_map<(d0, d1) -> (0)>
module attributes {stable_mosaic.version = 14 : i64} {
  func.func @_sc_ent_body(%arg0: i32, %arg1: i32, %arg2: memref<250000x128xf32, #tpu.memory_space<hbm>>, %arg3: memref<8192xi32, #tpu.memory_space<hbm>>, %arg4: memref<8192xi32, #tpu.memory_space<hbm>>, %arg5: memref<8192xi32, #tpu.memory_space<hbm>>, %arg6: memref<8192x128xf32, #tpu.memory_space<hbm>>, %arg7: memref<8192x128xf32, #tpu.memory_space<hbm>>, %arg8: memref<8192x128xf32, #tpu.memory_space<hbm>>, %arg9: memref<256xi32, #tpu.memory_space<vmem>>, %arg10: memref<256xi32, #tpu.memory_space<vmem>>, %arg11: memref<256xi32, #tpu.memory_space<vmem>>, %arg12: memref<128x128xf32, #tpu.memory_space<vmem>>, %arg13: memref<128x128xf32, #tpu.memory_space<vmem>>, %arg14: memref<!tpu.dma_semaphore, #tpu.memory_space<semaphore_mem>>, %arg15: memref<!tpu.dma_semaphore, #tpu.memory_space<semaphore_mem>>, %arg16: memref<!tpu.dma_semaphore, #tpu.memory_space<semaphore_mem>>) attributes {dimension_semantics = [#tpu.dimension_semantics<core_parallel>, #tpu.dimension_semantics<subcore_parallel>], iteration_bounds = array<i64: 2, 16>, scalar_prefetch = 0 : i64, scratch_operands = 8 : i64, tpu.core_type = #tpu.core_type<sc_vector_subcore>, window_params = [{transform_indices = #map}, {transform_indices = #map1}, {transform_indices = #map1}, {transform_indices = #map1}, {transform_indices = #map}, {transform_indices = #map}, {transform_indices = #map}]} {
    %mul3A = arith.constant 2 : i32
    %mul3A_0 = arith.muli %arg1, %mul3A : i32
    %add3A = arith.addi %mul3A_0, %arg0 : i32
    %mul3A_1 = arith.constant 256 : i32
    %mul3A_2 = arith.muli %add3A, %mul3A_1 : i32
    "tpu.region"() ({
      %run_scoped3A = tpu.sem_alloc : memref<!tpu.dma_semaphore, #tpu.memory_space<semaphore_mem>>
      %dma_start3A_121 = tpu.memref_slice %arg3[%mul3A_2] : memref<8192xi32, #tpu.memory_space<hbm>> -> memref<256xi32, #tpu.memory_space<hbm>>
      %dma_start3A_122 = tpu.memref_slice %arg3[%mul3A_2] : memref<8192xi32, #tpu.memory_space<hbm>> -> memref<256xi32, #tpu.memory_space<hbm>>
      tpu.enqueue_dma source(%dma_start3A_122 : memref<256xi32, #tpu.memory_space<hbm>>) target(%arg9 : memref<256xi32, #tpu.memory_space<vmem>>) target_semaphore(%run_scoped3A : memref<!tpu.dma_semaphore, #tpu.memory_space<semaphore_mem>>)
      %dma_wait3A_123 = tpu.memref_slice %arg3[%mul3A_2] : memref<8192xi32, #tpu.memory_space<hbm>> -> memref<256xi32, #tpu.memory_space<hbm>>
      %dma_wait3A_124 = tpu.memref_slice %arg3[%mul3A_2] : memref<8192xi32, #tpu.memory_space<hbm>> -> memref<256xi32, #tpu.memory_space<hbm>>
      tpu.wait_dma2 semaphore(%run_scoped3A : memref<!tpu.dma_semaphore, #tpu.memory_space<semaphore_mem>>) src(%dma_wait3A_124 : memref<256xi32, #tpu.memory_space<hbm>>) dst(%arg9 : memref<256xi32, #tpu.memory_space<vmem>>)
      tpu.yield
    }) : () -> ()
    "tpu.region"() ({
      %run_scoped3A = tpu.sem_alloc : memref<!tpu.dma_semaphore, #tpu.memory_space<semaphore_mem>>
      %dma_start3A_121 = tpu.memref_slice %arg4[%mul3A_2] : memref<8192xi32, #tpu.memory_space<hbm>> -> memref<256xi32, #tpu.memory_space<hbm>>
      %dma_start3A_122 = tpu.memref_slice %arg4[%mul3A_2] : memref<8192xi32, #tpu.memory_space<hbm>> -> memref<256xi32, #tpu.memory_space<hbm>>
      tpu.enqueue_dma source(%dma_start3A_122 : memref<256xi32, #tpu.memory_space<hbm>>) target(%arg10 : memref<256xi32, #tpu.memory_space<vmem>>) target_semaphore(%run_scoped3A : memref<!tpu.dma_semaphore, #tpu.memory_space<semaphore_mem>>)
      %dma_wait3A_123 = tpu.memref_slice %arg4[%mul3A_2] : memref<8192xi32, #tpu.memory_space<hbm>> -> memref<256xi32, #tpu.memory_space<hbm>>
      %dma_wait3A_124 = tpu.memref_slice %arg4[%mul3A_2] : memref<8192xi32, #tpu.memory_space<hbm>> -> memref<256xi32, #tpu.memory_space<hbm>>
      tpu.wait_dma2 semaphore(%run_scoped3A : memref<!tpu.dma_semaphore, #tpu.memory_space<semaphore_mem>>) src(%dma_wait3A_124 : memref<256xi32, #tpu.memory_space<hbm>>) dst(%arg10 : memref<256xi32, #tpu.memory_space<vmem>>)
      tpu.yield
    }) : () -> ()
    "tpu.region"() ({
      %run_scoped3A = tpu.sem_alloc : memref<!tpu.dma_semaphore, #tpu.memory_space<semaphore_mem>>
      %dma_start3A_121 = tpu.memref_slice %arg5[%mul3A_2] : memref<8192xi32, #tpu.memory_space<hbm>> -> memref<256xi32, #tpu.memory_space<hbm>>
      %dma_start3A_122 = tpu.memref_slice %arg5[%mul3A_2] : memref<8192xi32, #tpu.memory_space<hbm>> -> memref<256xi32, #tpu.memory_space<hbm>>
      tpu.enqueue_dma source(%dma_start3A_122 : memref<256xi32, #tpu.memory_space<hbm>>) target(%arg11 : memref<256xi32, #tpu.memory_space<vmem>>) target_semaphore(%run_scoped3A : memref<!tpu.dma_semaphore, #tpu.memory_space<semaphore_mem>>)
      %dma_wait3A_123 = tpu.memref_slice %arg5[%mul3A_2] : memref<8192xi32, #tpu.memory_space<hbm>> -> memref<256xi32, #tpu.memory_space<hbm>>
      %dma_wait3A_124 = tpu.memref_slice %arg5[%mul3A_2] : memref<8192xi32, #tpu.memory_space<hbm>> -> memref<256xi32, #tpu.memory_space<hbm>>
      tpu.wait_dma2 semaphore(%run_scoped3A : memref<!tpu.dma_semaphore, #tpu.memory_space<semaphore_mem>>) src(%dma_wait3A_124 : memref<256xi32, #tpu.memory_space<hbm>>) dst(%arg11 : memref<256xi32, #tpu.memory_space<vmem>>)
      tpu.yield
    }) : () -> ()
    %dma_start3A = arith.constant 0 : i32
    %dma_start3A_3 = tpu.memref_slice %arg9[%dma_start3A] : memref<256xi32, #tpu.memory_space<vmem>> -> memref<128xi32, #tpu.memory_space<vmem>>
    %dma_start3A_4 = arith.constant 0 : i32
    %dma_start3A_5 = arith.constant 0 : i32
    %dma_start3A_6 = tpu.memref_slice %arg2[%dma_start3A_4, %dma_start3A_5] : memref<250000x128xf32, #tpu.memory_space<hbm>> -> memref<250000x128xf32, #tpu.memory_space<hbm>>
    tpu.enqueue_indirect_dma source(%dma_start3A_6 : memref<250000x128xf32, #tpu.memory_space<hbm>>) target(%arg12 : memref<128x128xf32, #tpu.memory_space<vmem>>) offsets(%dma_start3A_3 : memref<128xi32, #tpu.memory_space<vmem>>) semaphore(%arg14 : memref<!tpu.dma_semaphore, #tpu.memory_space<semaphore_mem>>)
    %dma_wait3A = arith.constant 0 : i32
    %dma_wait3A_7 = tpu.memref_slice %arg9[%dma_wait3A] : memref<256xi32, #tpu.memory_space<vmem>> -> memref<128xi32, #tpu.memory_space<vmem>>
    %dma_wait3A_8 = arith.constant 0 : i32
    %dma_wait3A_9 = arith.constant 0 : i32
    %dma_wait3A_10 = tpu.memref_slice %arg2[%dma_wait3A_8, %dma_wait3A_9] : memref<250000x128xf32, #tpu.memory_space<hbm>> -> memref<250000x128xf32, #tpu.memory_space<hbm>>
    tpu.wait_indirect_dma semaphore(%arg14 : memref<!tpu.dma_semaphore, #tpu.memory_space<semaphore_mem>>) src(%dma_wait3A_10 : memref<250000x128xf32, #tpu.memory_space<hbm>>) dst(%arg12 : memref<128x128xf32, #tpu.memory_space<vmem>>)
    %dma_start3A_11 = arith.constant 128 : i32
    %dma_start3A_12 = tpu.memref_slice %arg9[%dma_start3A_11] : memref<256xi32, #tpu.memory_space<vmem>> -> memref<128xi32, #tpu.memory_space<vmem>>
    %dma_start3A_13 = arith.constant 0 : i32
    %dma_start3A_14 = arith.constant 0 : i32
    %dma_start3A_15 = tpu.memref_slice %arg2[%dma_start3A_13, %dma_start3A_14] : memref<250000x128xf32, #tpu.memory_space<hbm>> -> memref<250000x128xf32, #tpu.memory_space<hbm>>
    tpu.enqueue_indirect_dma source(%dma_start3A_15 : memref<250000x128xf32, #tpu.memory_space<hbm>>) target(%arg13 : memref<128x128xf32, #tpu.memory_space<vmem>>) offsets(%dma_start3A_12 : memref<128xi32, #tpu.memory_space<vmem>>) semaphore(%arg14 : memref<!tpu.dma_semaphore, #tpu.memory_space<semaphore_mem>>)
    %add3A_16 = arith.constant 0 : i32
    %add3A_17 = arith.addi %mul3A_2, %add3A_16 : i32
    %dma_start3A_18 = arith.constant 0 : i32
    %dma_start3A_19 = tpu.memref_slice %arg6[%add3A_17, %dma_start3A_18] : memref<8192x128xf32, #tpu.memory_space<hbm>> -> memref<128x128xf32, #tpu.memory_space<hbm>>
    %dma_start3A_20 = arith.constant 0 : i32
    %dma_start3A_21 = tpu.memref_slice %arg6[%add3A_17, %dma_start3A_20] : memref<8192x128xf32, #tpu.memory_space<hbm>> -> memref<128x128xf32, #tpu.memory_space<hbm>>
    tpu.enqueue_dma source(%arg12 : memref<128x128xf32, #tpu.memory_space<vmem>>) target(%dma_start3A_21 : memref<128x128xf32, #tpu.memory_space<hbm>>) target_semaphore(%arg15 : memref<!tpu.dma_semaphore, #tpu.memory_space<semaphore_mem>>)
    %dma_wait3A_22 = arith.constant 128 : i32
    %dma_wait3A_23 = tpu.memref_slice %arg9[%dma_wait3A_22] : memref<256xi32, #tpu.memory_space<vmem>> -> memref<128xi32, #tpu.memory_space<vmem>>
    %dma_wait3A_24 = arith.constant 0 : i32
    %dma_wait3A_25 = arith.constant 0 : i32
    %dma_wait3A_26 = tpu.memref_slice %arg2[%dma_wait3A_24, %dma_wait3A_25] : memref<250000x128xf32, #tpu.memory_space<hbm>> -> memref<250000x128xf32, #tpu.memory_space<hbm>>
    tpu.wait_indirect_dma semaphore(%arg14 : memref<!tpu.dma_semaphore, #tpu.memory_space<semaphore_mem>>) src(%dma_wait3A_26 : memref<250000x128xf32, #tpu.memory_space<hbm>>) dst(%arg13 : memref<128x128xf32, #tpu.memory_space<vmem>>)
    %dma_wait3A_27 = arith.constant 0 : i32
    %dma_wait3A_28 = tpu.memref_slice %arg6[%add3A_17, %dma_wait3A_27] : memref<8192x128xf32, #tpu.memory_space<hbm>> -> memref<128x128xf32, #tpu.memory_space<hbm>>
    %dma_wait3A_29 = arith.constant 0 : i32
    %dma_wait3A_30 = tpu.memref_slice %arg6[%add3A_17, %dma_wait3A_29] : memref<8192x128xf32, #tpu.memory_space<hbm>> -> memref<128x128xf32, #tpu.memory_space<hbm>>
    tpu.wait_dma2 semaphore(%arg15 : memref<!tpu.dma_semaphore, #tpu.memory_space<semaphore_mem>>) src(%arg12 : memref<128x128xf32, #tpu.memory_space<vmem>>) dst(%dma_wait3A_30 : memref<128x128xf32, #tpu.memory_space<hbm>>)
    %dma_start3A_31 = arith.constant 0 : i32
    %dma_start3A_32 = tpu.memref_slice %arg10[%dma_start3A_31] : memref<256xi32, #tpu.memory_space<vmem>> -> memref<128xi32, #tpu.memory_space<vmem>>
    %dma_start3A_33 = arith.constant 0 : i32
    %dma_start3A_34 = arith.constant 0 : i32
    %dma_start3A_35 = tpu.memref_slice %arg2[%dma_start3A_33, %dma_start3A_34] : memref<250000x128xf32, #tpu.memory_space<hbm>> -> memref<250000x128xf32, #tpu.memory_space<hbm>>
    tpu.enqueue_indirect_dma source(%dma_start3A_35 : memref<250000x128xf32, #tpu.memory_space<hbm>>) target(%arg12 : memref<128x128xf32, #tpu.memory_space<vmem>>) offsets(%dma_start3A_32 : memref<128xi32, #tpu.memory_space<vmem>>) semaphore(%arg14 : memref<!tpu.dma_semaphore, #tpu.memory_space<semaphore_mem>>)
    %add3A_36 = arith.constant 128 : i32
    %add3A_37 = arith.addi %mul3A_2, %add3A_36 : i32
    %dma_start3A_38 = arith.constant 0 : i32
    %dma_start3A_39 = tpu.memref_slice %arg6[%add3A_37, %dma_start3A_38] : memref<8192x128xf32, #tpu.memory_space<hbm>> -> memref<128x128xf32, #tpu.memory_space<hbm>>
    %dma_start3A_40 = arith.constant 0 : i32
    %dma_start3A_41 = tpu.memref_slice %arg6[%add3A_37, %dma_start3A_40] : memref<8192x128xf32, #tpu.memory_space<hbm>> -> memref<128x128xf32, #tpu.memory_space<hbm>>
    tpu.enqueue_dma source(%arg13 : memref<128x128xf32, #tpu.memory_space<vmem>>) target(%dma_start3A_41 : memref<128x128xf32, #tpu.memory_space<hbm>>) target_semaphore(%arg16 : memref<!tpu.dma_semaphore, #tpu.memory_space<semaphore_mem>>)
    %dma_wait3A_42 = arith.constant 0 : i32
    %dma_wait3A_43 = tpu.memref_slice %arg10[%dma_wait3A_42] : memref<256xi32, #tpu.memory_space<vmem>> -> memref<128xi32, #tpu.memory_space<vmem>>
    %dma_wait3A_44 = arith.constant 0 : i32
    %dma_wait3A_45 = arith.constant 0 : i32
    %dma_wait3A_46 = tpu.memref_slice %arg2[%dma_wait3A_44, %dma_wait3A_45] : memref<250000x128xf32, #tpu.memory_space<hbm>> -> memref<250000x128xf32, #tpu.memory_space<hbm>>
    tpu.wait_indirect_dma semaphore(%arg14 : memref<!tpu.dma_semaphore, #tpu.memory_space<semaphore_mem>>) src(%dma_wait3A_46 : memref<250000x128xf32, #tpu.memory_space<hbm>>) dst(%arg12 : memref<128x128xf32, #tpu.memory_space<vmem>>)
    %dma_wait3A_47 = arith.constant 0 : i32
    %dma_wait3A_48 = tpu.memref_slice %arg6[%add3A_37, %dma_wait3A_47] : memref<8192x128xf32, #tpu.memory_space<hbm>> -> memref<128x128xf32, #tpu.memory_space<hbm>>
    %dma_wait3A_49 = arith.constant 0 : i32
    %dma_wait3A_50 = tpu.memref_slice %arg6[%add3A_37, %dma_wait3A_49] : memref<8192x128xf32, #tpu.memory_space<hbm>> -> memref<128x128xf32, #tpu.memory_space<hbm>>
    tpu.wait_dma2 semaphore(%arg16 : memref<!tpu.dma_semaphore, #tpu.memory_space<semaphore_mem>>) src(%arg13 : memref<128x128xf32, #tpu.memory_space<vmem>>) dst(%dma_wait3A_50 : memref<128x128xf32, #tpu.memory_space<hbm>>)
    %dma_start3A_51 = arith.constant 128 : i32
    %dma_start3A_52 = tpu.memref_slice %arg10[%dma_start3A_51] : memref<256xi32, #tpu.memory_space<vmem>> -> memref<128xi32, #tpu.memory_space<vmem>>
    %dma_start3A_53 = arith.constant 0 : i32
    %dma_start3A_54 = arith.constant 0 : i32
    %dma_start3A_55 = tpu.memref_slice %arg2[%dma_start3A_53, %dma_start3A_54] : memref<250000x128xf32, #tpu.memory_space<hbm>> -> memref<250000x128xf32, #tpu.memory_space<hbm>>
    tpu.enqueue_indirect_dma source(%dma_start3A_55 : memref<250000x128xf32, #tpu.memory_space<hbm>>) target(%arg13 : memref<128x128xf32, #tpu.memory_space<vmem>>) offsets(%dma_start3A_52 : memref<128xi32, #tpu.memory_space<vmem>>) semaphore(%arg14 : memref<!tpu.dma_semaphore, #tpu.memory_space<semaphore_mem>>)
    %add3A_56 = arith.constant 0 : i32
    %add3A_57 = arith.addi %mul3A_2, %add3A_56 : i32
    %dma_start3A_58 = arith.constant 0 : i32
    %dma_start3A_59 = tpu.memref_slice %arg7[%add3A_57, %dma_start3A_58] : memref<8192x128xf32, #tpu.memory_space<hbm>> -> memref<128x128xf32, #tpu.memory_space<hbm>>
    %dma_start3A_60 = arith.constant 0 : i32
    %dma_start3A_61 = tpu.memref_slice %arg7[%add3A_57, %dma_start3A_60] : memref<8192x128xf32, #tpu.memory_space<hbm>> -> memref<128x128xf32, #tpu.memory_space<hbm>>
    tpu.enqueue_dma source(%arg12 : memref<128x128xf32, #tpu.memory_space<vmem>>) target(%dma_start3A_61 : memref<128x128xf32, #tpu.memory_space<hbm>>) target_semaphore(%arg15 : memref<!tpu.dma_semaphore, #tpu.memory_space<semaphore_mem>>)
    %dma_wait3A_62 = arith.constant 128 : i32
    %dma_wait3A_63 = tpu.memref_slice %arg10[%dma_wait3A_62] : memref<256xi32, #tpu.memory_space<vmem>> -> memref<128xi32, #tpu.memory_space<vmem>>
    %dma_wait3A_64 = arith.constant 0 : i32
    %dma_wait3A_65 = arith.constant 0 : i32
    %dma_wait3A_66 = tpu.memref_slice %arg2[%dma_wait3A_64, %dma_wait3A_65] : memref<250000x128xf32, #tpu.memory_space<hbm>> -> memref<250000x128xf32, #tpu.memory_space<hbm>>
    tpu.wait_indirect_dma semaphore(%arg14 : memref<!tpu.dma_semaphore, #tpu.memory_space<semaphore_mem>>) src(%dma_wait3A_66 : memref<250000x128xf32, #tpu.memory_space<hbm>>) dst(%arg13 : memref<128x128xf32, #tpu.memory_space<vmem>>)
    %dma_wait3A_67 = arith.constant 0 : i32
    %dma_wait3A_68 = tpu.memref_slice %arg7[%add3A_57, %dma_wait3A_67] : memref<8192x128xf32, #tpu.memory_space<hbm>> -> memref<128x128xf32, #tpu.memory_space<hbm>>
    %dma_wait3A_69 = arith.constant 0 : i32
    %dma_wait3A_70 = tpu.memref_slice %arg7[%add3A_57, %dma_wait3A_69] : memref<8192x128xf32, #tpu.memory_space<hbm>> -> memref<128x128xf32, #tpu.memory_space<hbm>>
    tpu.wait_dma2 semaphore(%arg15 : memref<!tpu.dma_semaphore, #tpu.memory_space<semaphore_mem>>) src(%arg12 : memref<128x128xf32, #tpu.memory_space<vmem>>) dst(%dma_wait3A_70 : memref<128x128xf32, #tpu.memory_space<hbm>>)
    %dma_start3A_71 = arith.constant 0 : i32
    %dma_start3A_72 = tpu.memref_slice %arg11[%dma_start3A_71] : memref<256xi32, #tpu.memory_space<vmem>> -> memref<128xi32, #tpu.memory_space<vmem>>
    %dma_start3A_73 = arith.constant 0 : i32
    %dma_start3A_74 = arith.constant 0 : i32
    %dma_start3A_75 = tpu.memref_slice %arg2[%dma_start3A_73, %dma_start3A_74] : memref<250000x128xf32, #tpu.memory_space<hbm>> -> memref<250000x128xf32, #tpu.memory_space<hbm>>
    tpu.enqueue_indirect_dma source(%dma_start3A_75 : memref<250000x128xf32, #tpu.memory_space<hbm>>) target(%arg12 : memref<128x128xf32, #tpu.memory_space<vmem>>) offsets(%dma_start3A_72 : memref<128xi32, #tpu.memory_space<vmem>>) semaphore(%arg14 : memref<!tpu.dma_semaphore, #tpu.memory_space<semaphore_mem>>)
    %add3A_76 = arith.constant 128 : i32
    %add3A_77 = arith.addi %mul3A_2, %add3A_76 : i32
    %dma_start3A_78 = arith.constant 0 : i32
    %dma_start3A_79 = tpu.memref_slice %arg7[%add3A_77, %dma_start3A_78] : memref<8192x128xf32, #tpu.memory_space<hbm>> -> memref<128x128xf32, #tpu.memory_space<hbm>>
    %dma_start3A_80 = arith.constant 0 : i32
    %dma_start3A_81 = tpu.memref_slice %arg7[%add3A_77, %dma_start3A_80] : memref<8192x128xf32, #tpu.memory_space<hbm>> -> memref<128x128xf32, #tpu.memory_space<hbm>>
    tpu.enqueue_dma source(%arg13 : memref<128x128xf32, #tpu.memory_space<vmem>>) target(%dma_start3A_81 : memref<128x128xf32, #tpu.memory_space<hbm>>) target_semaphore(%arg16 : memref<!tpu.dma_semaphore, #tpu.memory_space<semaphore_mem>>)
    %dma_wait3A_82 = arith.constant 0 : i32
    %dma_wait3A_83 = tpu.memref_slice %arg11[%dma_wait3A_82] : memref<256xi32, #tpu.memory_space<vmem>> -> memref<128xi32, #tpu.memory_space<vmem>>
    %dma_wait3A_84 = arith.constant 0 : i32
    %dma_wait3A_85 = arith.constant 0 : i32
    %dma_wait3A_86 = tpu.memref_slice %arg2[%dma_wait3A_84, %dma_wait3A_85] : memref<250000x128xf32, #tpu.memory_space<hbm>> -> memref<250000x128xf32, #tpu.memory_space<hbm>>
    tpu.wait_indirect_dma semaphore(%arg14 : memref<!tpu.dma_semaphore, #tpu.memory_space<semaphore_mem>>) src(%dma_wait3A_86 : memref<250000x128xf32, #tpu.memory_space<hbm>>) dst(%arg12 : memref<128x128xf32, #tpu.memory_space<vmem>>)
    %dma_wait3A_87 = arith.constant 0 : i32
    %dma_wait3A_88 = tpu.memref_slice %arg7[%add3A_77, %dma_wait3A_87] : memref<8192x128xf32, #tpu.memory_space<hbm>> -> memref<128x128xf32, #tpu.memory_space<hbm>>
    %dma_wait3A_89 = arith.constant 0 : i32
    %dma_wait3A_90 = tpu.memref_slice %arg7[%add3A_77, %dma_wait3A_89] : memref<8192x128xf32, #tpu.memory_space<hbm>> -> memref<128x128xf32, #tpu.memory_space<hbm>>
    tpu.wait_dma2 semaphore(%arg16 : memref<!tpu.dma_semaphore, #tpu.memory_space<semaphore_mem>>) src(%arg13 : memref<128x128xf32, #tpu.memory_space<vmem>>) dst(%dma_wait3A_90 : memref<128x128xf32, #tpu.memory_space<hbm>>)
    %dma_start3A_91 = arith.constant 128 : i32
    %dma_start3A_92 = tpu.memref_slice %arg11[%dma_start3A_91] : memref<256xi32, #tpu.memory_space<vmem>> -> memref<128xi32, #tpu.memory_space<vmem>>
    %dma_start3A_93 = arith.constant 0 : i32
    %dma_start3A_94 = arith.constant 0 : i32
    %dma_start3A_95 = tpu.memref_slice %arg2[%dma_start3A_93, %dma_start3A_94] : memref<250000x128xf32, #tpu.memory_space<hbm>> -> memref<250000x128xf32, #tpu.memory_space<hbm>>
    tpu.enqueue_indirect_dma source(%dma_start3A_95 : memref<250000x128xf32, #tpu.memory_space<hbm>>) target(%arg13 : memref<128x128xf32, #tpu.memory_space<vmem>>) offsets(%dma_start3A_92 : memref<128xi32, #tpu.memory_space<vmem>>) semaphore(%arg14 : memref<!tpu.dma_semaphore, #tpu.memory_space<semaphore_mem>>)
    %add3A_96 = arith.constant 0 : i32
    %add3A_97 = arith.addi %mul3A_2, %add3A_96 : i32
    %dma_start3A_98 = arith.constant 0 : i32
    %dma_start3A_99 = tpu.memref_slice %arg8[%add3A_97, %dma_start3A_98] : memref<8192x128xf32, #tpu.memory_space<hbm>> -> memref<128x128xf32, #tpu.memory_space<hbm>>
    %dma_start3A_100 = arith.constant 0 : i32
    %dma_start3A_101 = tpu.memref_slice %arg8[%add3A_97, %dma_start3A_100] : memref<8192x128xf32, #tpu.memory_space<hbm>> -> memref<128x128xf32, #tpu.memory_space<hbm>>
    tpu.enqueue_dma source(%arg12 : memref<128x128xf32, #tpu.memory_space<vmem>>) target(%dma_start3A_101 : memref<128x128xf32, #tpu.memory_space<hbm>>) target_semaphore(%arg15 : memref<!tpu.dma_semaphore, #tpu.memory_space<semaphore_mem>>)
    %dma_wait3A_102 = arith.constant 128 : i32
    %dma_wait3A_103 = tpu.memref_slice %arg11[%dma_wait3A_102] : memref<256xi32, #tpu.memory_space<vmem>> -> memref<128xi32, #tpu.memory_space<vmem>>
    %dma_wait3A_104 = arith.constant 0 : i32
    %dma_wait3A_105 = arith.constant 0 : i32
    %dma_wait3A_106 = tpu.memref_slice %arg2[%dma_wait3A_104, %dma_wait3A_105] : memref<250000x128xf32, #tpu.memory_space<hbm>> -> memref<250000x128xf32, #tpu.memory_space<hbm>>
    tpu.wait_indirect_dma semaphore(%arg14 : memref<!tpu.dma_semaphore, #tpu.memory_space<semaphore_mem>>) src(%dma_wait3A_106 : memref<250000x128xf32, #tpu.memory_space<hbm>>) dst(%arg13 : memref<128x128xf32, #tpu.memory_space<vmem>>)
    %add3A_107 = arith.constant 128 : i32
    %add3A_108 = arith.addi %mul3A_2, %add3A_107 : i32
    %dma_start3A_109 = arith.constant 0 : i32
    %dma_start3A_110 = tpu.memref_slice %arg8[%add3A_108, %dma_start3A_109] : memref<8192x128xf32, #tpu.memory_space<hbm>> -> memref<128x128xf32, #tpu.memory_space<hbm>>
    %dma_start3A_111 = arith.constant 0 : i32
    %dma_start3A_112 = tpu.memref_slice %arg8[%add3A_108, %dma_start3A_111] : memref<8192x128xf32, #tpu.memory_space<hbm>> -> memref<128x128xf32, #tpu.memory_space<hbm>>
    tpu.enqueue_dma source(%arg13 : memref<128x128xf32, #tpu.memory_space<vmem>>) target(%dma_start3A_112 : memref<128x128xf32, #tpu.memory_space<hbm>>) target_semaphore(%arg16 : memref<!tpu.dma_semaphore, #tpu.memory_space<semaphore_mem>>)
    %dma_wait3A_113 = arith.constant 0 : i32
    %dma_wait3A_114 = tpu.memref_slice %arg8[%add3A_97, %dma_wait3A_113] : memref<8192x128xf32, #tpu.memory_space<hbm>> -> memref<128x128xf32, #tpu.memory_space<hbm>>
    %dma_wait3A_115 = arith.constant 0 : i32
    %dma_wait3A_116 = tpu.memref_slice %arg8[%add3A_97, %dma_wait3A_115] : memref<8192x128xf32, #tpu.memory_space<hbm>> -> memref<128x128xf32, #tpu.memory_space<hbm>>
    tpu.wait_dma2 semaphore(%arg15 : memref<!tpu.dma_semaphore, #tpu.memory_space<semaphore_mem>>) src(%arg12 : memref<128x128xf32, #tpu.memory_space<vmem>>) dst(%dma_wait3A_116 : memref<128x128xf32, #tpu.memory_space<hbm>>)
    %dma_wait3A_117 = arith.constant 0 : i32
    %dma_wait3A_118 = tpu.memref_slice %arg8[%add3A_108, %dma_wait3A_117] : memref<8192x128xf32, #tpu.memory_space<hbm>> -> memref<128x128xf32, #tpu.memory_space<hbm>>
    %dma_wait3A_119 = arith.constant 0 : i32
    %dma_wait3A_120 = tpu.memref_slice %arg8[%add3A_108, %dma_wait3A_119] : memref<8192x128xf32, #tpu.memory_space<hbm>> -> memref<128x128xf32, #tpu.memory_space<hbm>>
    tpu.wait_dma2 semaphore(%arg16 : memref<!tpu.dma_semaphore, #tpu.memory_space<semaphore_mem>>) src(%arg13 : memref<128x128xf32, #tpu.memory_space<vmem>>) dst(%dma_wait3A_120 : memref<128x128xf32, #tpu.memory_space<hbm>>)
    return
  }
}

module attributes {stable_mosaic.version = 14 : i64} {
  func.func @_scan_repack_body(%arg0: i32, %arg1: memref<64x32768xf32, #tpu.memory_space<vmem>>, %arg2: memref<250x128xf32, #tpu.memory_space<vmem>>, %arg3: memref<8192x128xf32, #tpu.memory_space<vmem>>, %arg4: memref<2xf32, #tpu.memory_space<smem>>) attributes {dimension_semantics = [#tpu.dimension_semantics<arbitrary>], iteration_bounds = array<i64: 31>, scalar_prefetch = 0 : i64, scratch_operands = 0 : i64, tpu.core_type = #tpu.core_type<tc>, window_params = [{transform_indices = @transform_0, window_bounds = array<i64: 64, 32768>}, {pipeline_mode = #tpu.pipeline_mode<synchronous>, transform_indices = @transform_1, window_bounds = array<i64: 250, 128>}, {transform_indices = @transform_2, window_bounds = array<i64: 8192, 128>}, {transform_indices = @transform_3, window_bounds = array<i64: 2>}]} {
    %broadcast_in_dim3A = arith.constant 1.000000e+00 : f32
    %broadcast_in_dim3A_0 = vector.broadcast %broadcast_in_dim3A : f32 to vector<1x64xf32>
    %eq3A = arith.constant 0 : i32
    %eq3A_1 = arith.cmpi eq, %arg0, %eq3A : i32
    %convert_element_type3A = arith.extui %eq3A_1 : i1 to i32
    %cond3A = arith.constant 0 : i32
    %cond3A_2 = arith.cmpi ne, %convert_element_type3A, %cond3A : i32
    scf.if %cond3A_2 {
      %get3A_47 = arith.constant 0 : index
      %get3A_48 = arith.constant 0 : index
      %get3A_49 = vector.load %arg2[%get3A_47, %get3A_48] : memref<250x128xf32, #tpu.memory_space<vmem>>, vector<250x128xf32>
      %swap3A_50 = arith.constant 0.000000e+00 : f32
      %swap3A_51 = arith.constant 0 : index
      %swap3A_52 = memref.load %arg4[%swap3A_51] : memref<2xf32, #tpu.memory_space<smem>>
      memref.store %swap3A_50, %arg4[%swap3A_51] : memref<2xf32, #tpu.memory_space<smem>>
      %mul3A_53 = arith.mulf %get3A_49, %get3A_49 : vector<250x128xf32>
      %reduce_sum3A_54 = vector.shape_cast %mul3A_53 : vector<250x128xf32> to vector<1x250x128xf32>
      %reduce_sum3A_55 = arith.constant dense<0.000000e+00> : vector<1xf32>
      %reduce_sum3A_56 = vector.multi_reduction <add>, %reduce_sum3A_54, %reduce_sum3A_55 [1, 2] : vector<1x250x128xf32> to vector<1xf32>
      %reduce_sum3A_57 = vector.shape_cast %reduce_sum3A_56 : vector<1xf32> to vector<1x1x1xf32>
      %reduce_sum3A_58 = vector.extract %reduce_sum3A_57[0, 0, 0] : f32 from vector<1x1x1xf32>
      %swap3A_59 = arith.constant 1 : index
      %swap3A_60 = memref.load %arg4[%swap3A_59] : memref<2xf32, #tpu.memory_space<smem>>
      memref.store %reduce_sum3A_58, %arg4[%swap3A_59] : memref<2xf32, #tpu.memory_space<smem>>
    } else {
    }
    %get3A = arith.constant 0 : index
    %get3A_3 = arith.constant 0 : index
    %get3A_4 = vector.load %arg1[%get3A, %get3A_3] : memref<64x32768xf32, #tpu.memory_space<vmem>>, vector<64x32768xf32>
    %mul3A = arith.mulf %get3A_4, %get3A_4 : vector<64x32768xf32>
    %dot_general3A = arith.constant dense<0.000000e+00> : vector<1x32768xf32>
    %dot_general3A_5 = tpu.matmul %broadcast_in_dim3A_0, %mul3A, %dot_general3A {dimension_numbers = #tpu.dot_dimension_numbers<[1], [0], [0], [1], [0, 0, 1, 1], [], []>, transpose_lhs_hint = false} : vector<1x64xf32>, vector<64x32768xf32>, vector<1x32768xf32> -> vector<1x32768xf32>
    %mul3A_6 = arith.constant 1.000000e+24 : f32
    %mul3A_7 = vector.broadcast %mul3A_6 : f32 to vector<1x32768xf32>
    %mul3A_8 = arith.mulf %dot_general3A_5, %mul3A_7 : vector<1x32768xf32>
    %min3A = arith.constant 1.000000e+00 : f32
    %min3A_9 = vector.broadcast %min3A : f32 to vector<1x32768xf32>
    %min3A_10 = arith.minimumf %mul3A_8, %min3A_9 : vector<1x32768xf32>
    %iota3A = tpu.iota {dimensions = array<i32: 1>} : vector<1x32768xi32>
    %lt3A = arith.constant 30 : i32
    %lt3A_11 = arith.cmpi slt, %arg0, %lt3A : i32
    %ge3A = arith.constant 15808 : i32
    %ge3A_12 = vector.broadcast %ge3A : i32 to vector<1x32768xi32>
    %ge3A_13 = arith.cmpi sge, %iota3A, %ge3A_12 : vector<1x32768xi32>
    %or3A = vector.broadcast %lt3A_11 : i1 to vector<1x32768xi1>
    %or3A_14 = arith.ori %or3A, %ge3A_13 : vector<1x32768xi1>
    %get3A_15 = arith.constant 0 : index
    %get3A_16 = memref.load %arg4[%get3A_15] : memref<2xf32, #tpu.memory_space<smem>>
    %jit3A = arith.constant 0.000000e+00 : f32
    %broadcast_in_dim3A_17 = vector.broadcast %jit3A : f32 to vector<1x32768xf32>
    %select_n3A = arith.select %or3A_14, %min3A_10, %broadcast_in_dim3A_17 : vector<1x32768xi1>, vector<1x32768xf32>
    %reduce_sum3A = vector.shape_cast %select_n3A : vector<1x32768xf32> to vector<1x1x32768xf32>
    %reduce_sum3A_18 = arith.constant dense<0.000000e+00> : vector<1xf32>
    %reduce_sum3A_19 = vector.multi_reduction <add>, %reduce_sum3A, %reduce_sum3A_18 [1, 2] : vector<1x1x32768xf32> to vector<1xf32>
    %reduce_sum3A_20 = vector.shape_cast %reduce_sum3A_19 : vector<1xf32> to vector<1x1x1xf32>
    %reduce_sum3A_21 = vector.extract %reduce_sum3A_20[0, 0, 0] : f32 from vector<1x1x1xf32>
    %add3A = arith.addf %get3A_16, %reduce_sum3A_21 : f32
    %swap3A = arith.constant 0 : index
    %swap3A_22 = memref.load %arg4[%swap3A] : memref<2xf32, #tpu.memory_space<smem>>
    memref.store %add3A, %arg4[%swap3A] : memref<2xf32, #tpu.memory_space<smem>>
    %bitcast_convert_type3A = tpu.bitcast %get3A_4 : vector<64x32768xf32> -> vector<64x32768xi32>
    %slice3A = vector.extract_strided_slice %bitcast_convert_type3A {offsets = [0, 0], sizes = [64, 8192], strides = [1, 1]} : vector<64x32768xi32> to vector<64x8192xi32>
    %and3A = arith.constant -65536 : i32
    %and3A_23 = vector.broadcast %and3A : i32 to vector<64x8192xi32>
    %and3A_24 = arith.andi %slice3A, %and3A_23 : vector<64x8192xi32>
    %slice3A_25 = vector.extract_strided_slice %bitcast_convert_type3A {offsets = [0, 8192], sizes = [64, 8192], strides = [1, 1]} : vector<64x32768xi32> to vector<64x8192xi32>
    %shift_right_logical3A = arith.constant 16 : i32
    %shift_right_logical3A_26 = vector.broadcast %shift_right_logical3A : i32 to vector<64x8192xi32>
    %shift_right_logical3A_27 = arith.shrui %slice3A_25, %shift_right_logical3A_26 : vector<64x8192xi32>
    %or3A_28 = arith.ori %and3A_24, %shift_right_logical3A_27 : vector<64x8192xi32>
    %transpose3A = tpu.transpose %or3A_28, [1, 0] : vector<64x8192xi32> -> vector<8192x64xi32>
    %bitcast_convert_type3A_29 = tpu.bitcast %transpose3A : vector<8192x64xi32> -> vector<8192x64xf32>
    %swap3A_30 = arith.constant 0 : index
    %swap3A_31 = arith.constant 0 : index
    %swap3A_32 = vector.load %arg3[%swap3A_30, %swap3A_31] : memref<8192x128xf32, #tpu.memory_space<vmem>>, vector<8192x64xf32>
    tpu.vector_store %arg3[%swap3A_30, %swap3A_31], %bitcast_convert_type3A_29 {strides = array<i32>} : memref<8192x128xf32, #tpu.memory_space<vmem>>, vector<8192x64xf32>,
    %slice3A_33 = vector.extract_strided_slice %bitcast_convert_type3A {offsets = [0, 16384], sizes = [64, 8192], strides = [1, 1]} : vector<64x32768xi32> to vector<64x8192xi32>
    %and3A_34 = arith.constant -65536 : i32
    %and3A_35 = vector.broadcast %and3A_34 : i32 to vector<64x8192xi32>
    %and3A_36 = arith.andi %slice3A_33, %and3A_35 : vector<64x8192xi32>
    %slice3A_37 = vector.extract_strided_slice %bitcast_convert_type3A {offsets = [0, 24576], sizes = [64, 8192], strides = [1, 1]} : vector<64x32768xi32> to vector<64x8192xi32>
    %shift_right_logical3A_38 = arith.constant 16 : i32
    %shift_right_logical3A_39 = vector.broadcast %shift_right_logical3A_38 : i32 to vector<64x8192xi32>
    %shift_right_logical3A_40 = arith.shrui %slice3A_37, %shift_right_logical3A_39 : vector<64x8192xi32>
    %or3A_41 = arith.ori %and3A_36, %shift_right_logical3A_40 : vector<64x8192xi32>
    %transpose3A_42 = tpu.transpose %or3A_41, [1, 0] : vector<64x8192xi32> -> vector<8192x64xi32>
    %bitcast_convert_type3A_43 = tpu.bitcast %transpose3A_42 : vector<8192x64xi32> -> vector<8192x64xf32>
    %swap3A_44 = arith.constant 0 : index
    %swap3A_45 = arith.constant 64 : index
    %swap3A_46 = vector.load %arg3[%swap3A_44, %swap3A_45] : memref<8192x128xf32, #tpu.memory_space<vmem>>, vector<8192x64xf32>
    tpu.vector_store %arg3[%swap3A_44, %swap3A_45], %bitcast_convert_type3A_43 {strides = array<i32>} : memref<8192x128xf32, #tpu.memory_space<vmem>>, vector<8192x64xf32>,
    return
  }
  func.func @transform_0(%arg0: i32) -> (i32, i32) {
    %c0_i32 = arith.constant 0 : i32
    %c0_i32_0 = arith.constant 0 : i32
    return %c0_i32, %arg0 : i32, i32
  }
  func.func @transform_1(%arg0: i32) -> (i32, i32) {
    %c0_i32 = arith.constant 0 : i32
    %c0_i32_0 = arith.constant 0 : i32
    %c0_i32_1 = arith.constant 0 : i32
    return %c0_i32, %c0_i32_0 : i32, i32
  }
  func.func @transform_2(%arg0: i32) -> (i32, i32) {
    %c0_i32 = arith.constant 0 : i32
    %c0_i32_0 = arith.constant 0 : i32
    return %arg0, %c0_i32 : i32, i32
  }
  func.func @transform_3(%arg0: i32) -> i32 {
    %c0_i32 = arith.constant 0 : i32
    %c0_i32_0 = arith.constant 0 : i32
    return %c0_i32 : i32
  }
}

module attributes {stable_mosaic.version = 14 : i64} {
  func.func @_score_body(%arg0: i32, %arg1: memref<2048x128xf32, #tpu.memory_space<vmem>>, %arg2: memref<2048x128xf32, #tpu.memory_space<vmem>>, %arg3: memref<2048x128xf32, #tpu.memory_space<vmem>>, %arg4: memref<2048x128xf32, #tpu.memory_space<vmem>>, %arg5: memref<8x2048xf32, #tpu.memory_space<vmem>>, %arg6: memref<2xf32, #tpu.memory_space<smem>>, %arg7: memref<1xf32, #tpu.memory_space<smem>>, %arg8: memref<1xf32, #tpu.memory_space<smem>>, %arg9: memref<1xf32, #tpu.memory_space<smem>>) attributes {dimension_semantics = [#tpu.dimension_semantics<arbitrary>], iteration_bounds = array<i64: 4>, scalar_prefetch = 0 : i64, scratch_operands = 1 : i64, tpu.core_type = #tpu.core_type<tc>, window_params = [{transform_indices = @transform_0, window_bounds = array<i64: 2048, 128>}, {transform_indices = @transform_1, window_bounds = array<i64: 2048, 128>}, {transform_indices = @transform_2, window_bounds = array<i64: 2048, 128>}, {transform_indices = @transform_3, window_bounds = array<i64: 2048, 128>}, {transform_indices = @transform_4, window_bounds = array<i64: 8, 2048>}, {transform_indices = @transform_5, window_bounds = array<i64: 2>}, {transform_indices = @transform_6, window_bounds = array<i64: 1>}, {transform_indices = @transform_7, window_bounds = array<i64: 1>}]} {
    %eq3A = arith.constant 0 : i32
    %eq3A_0 = arith.cmpi eq, %arg0, %eq3A : i32
    %convert_element_type3A = arith.extui %eq3A_0 : i1 to i32
    %cond3A = arith.constant 0 : i32
    %cond3A_1 = arith.cmpi ne, %convert_element_type3A, %cond3A : i32
    scf.if %cond3A_1 {
      %get3A_194 = arith.constant 0 : index
      %get3A_195 = memref.load %arg7[%get3A_194] : memref<1xf32, #tpu.memory_space<smem>>
      %swap3A_196 = arith.constant 0 : index
      %swap3A_197 = memref.load %arg9[%swap3A_196] : memref<1xf32, #tpu.memory_space<smem>>
      memref.store %get3A_195, %arg9[%swap3A_196] : memref<1xf32, #tpu.memory_space<smem>>
    } else {
    }
    %get3A = arith.constant 0 : index
    %get3A_2 = arith.constant 0 : index
    %get3A_3 = vector.load %arg5[%get3A, %get3A_2] : memref<8x2048xf32, #tpu.memory_space<vmem>>, vector<8x2048xf32>
    %transpose3A = tpu.transpose %get3A_3, [1, 0] : vector<8x2048xf32> -> vector<2048x8xf32>
    %get3A_4 = arith.constant 0 : index
    %get3A_5 = arith.constant 0 : index
    %get3A_6 = vector.load %arg1[%get3A_4, %get3A_5] : memref<2048x128xf32, #tpu.memory_space<vmem>>, vector<2048x128xf32>
    %slice3A = vector.extract_strided_slice %transpose3A {offsets = [0, 0], sizes = [2048, 1], strides = [1, 1]} : vector<2048x8xf32> to vector<2048x1xf32>
    %gt3A = arith.constant 5.000000e-01 : f32
    %gt3A_7 = vector.broadcast %gt3A : f32 to vector<2048x1xf32>
    %gt3A_8 = arith.cmpf ogt, %slice3A, %gt3A_7 : vector<2048x1xf32>
    %slice3A_9 = vector.extract_strided_slice %get3A_6 {offsets = [0, 64], sizes = [2048, 64], strides = [1, 1]} : vector<2048x128xf32> to vector<2048x64xf32>
    %slice3A_10 = vector.extract_strided_slice %get3A_6 {offsets = [0, 0], sizes = [2048, 64], strides = [1, 1]} : vector<2048x128xf32> to vector<2048x64xf32>
    %broadcast_in_dim3A = vector.shape_cast %gt3A_8 : vector<2048x1xi1> to vector<2048x1xi1>
    %broadcast_in_dim3A_11 = vector.broadcast %broadcast_in_dim3A : vector<2048x1xi1> to vector<2048x64xi1>
    %select_n3A = arith.select %broadcast_in_dim3A_11, %slice3A_9, %slice3A_10 : vector<2048x64xi1>, vector<2048x64xf32>
    %bitcast_convert_type3A = tpu.bitcast %select_n3A : vector<2048x64xf32> -> vector<2048x64xi32>
    %slice3A_12 = vector.extract_strided_slice %transpose3A {offsets = [0, 1], sizes = [2048, 1], strides = [1, 1]} : vector<2048x8xf32> to vector<2048x1xf32>
    %gt3A_13 = arith.constant 5.000000e-01 : f32
    %gt3A_14 = vector.broadcast %gt3A_13 : f32 to vector<2048x1xf32>
    %gt3A_15 = arith.cmpf ogt, %slice3A_12, %gt3A_14 : vector<2048x1xf32>
    %shift_left3A = arith.constant 16 : i32
    %shift_left3A_16 = vector.broadcast %shift_left3A : i32 to vector<2048x64xi32>
    %shift_left3A_17 = arith.shli %bitcast_convert_type3A, %shift_left3A_16 : vector<2048x64xi32>
    %bitcast_convert_type3A_18 = tpu.bitcast %shift_left3A_17 : vector<2048x64xi32> -> vector<2048x64xf32>
    %and3A = arith.constant -65536 : i32
    %and3A_19 = vector.broadcast %and3A : i32 to vector<2048x64xi32>
    %and3A_20 = arith.andi %bitcast_convert_type3A, %and3A_19 : vector<2048x64xi32>
    %bitcast_convert_type3A_21 = tpu.bitcast %and3A_20 : vector<2048x64xi32> -> vector<2048x64xf32>
    %broadcast_in_dim3A_22 = vector.shape_cast %gt3A_15 : vector<2048x1xi1> to vector<2048x1xi1>
    %broadcast_in_dim3A_23 = vector.broadcast %broadcast_in_dim3A_22 : vector<2048x1xi1> to vector<2048x64xi1>
    %select_n3A_24 = arith.select %broadcast_in_dim3A_23, %bitcast_convert_type3A_18, %bitcast_convert_type3A_21 : vector<2048x64xi1>, vector<2048x64xf32>
    %get3A_25 = arith.constant 0 : index
    %get3A_26 = arith.constant 0 : index
    %get3A_27 = vector.load %arg2[%get3A_25, %get3A_26] : memref<2048x128xf32, #tpu.memory_space<vmem>>, vector<2048x128xf32>
    %slice3A_28 = vector.extract_strided_slice %get3A_27 {offsets = [0, 0], sizes = [2048, 64], strides = [1, 1]} : vector<2048x128xf32> to vector<2048x64xf32>
    %slice3A_29 = vector.extract_strided_slice %get3A_27 {offsets = [0, 64], sizes = [2048, 64], strides = [1, 1]} : vector<2048x128xf32> to vector<2048x64xf32>
    %slice3A_30 = vector.extract_strided_slice %transpose3A {offsets = [0, 2], sizes = [2048, 1], strides = [1, 1]} : vector<2048x8xf32> to vector<2048x1xf32>
    %sub3A = arith.subf %slice3A_29, %slice3A_28 : vector<2048x64xf32>
    %mul3A = vector.broadcast %slice3A_30 : vector<2048x1xf32> to vector<2048x64xf32>
    %mul3A_31 = arith.mulf %mul3A, %sub3A : vector<2048x64xf32>
    %add3A = arith.addf %slice3A_28, %mul3A_31 : vector<2048x64xf32>
    %get3A_32 = arith.constant 0 : index
    %get3A_33 = arith.constant 0 : index
    %get3A_34 = vector.load %arg3[%get3A_32, %get3A_33] : memref<2048x128xf32, #tpu.memory_space<vmem>>, vector<2048x128xf32>
    %slice3A_35 = vector.extract_strided_slice %transpose3A {offsets = [0, 4], sizes = [2048, 1], strides = [1, 1]} : vector<2048x8xf32> to vector<2048x1xf32>
    %gt3A_36 = arith.constant 5.000000e-01 : f32
    %gt3A_37 = vector.broadcast %gt3A_36 : f32 to vector<2048x1xf32>
    %gt3A_38 = arith.cmpf ogt, %slice3A_35, %gt3A_37 : vector<2048x1xf32>
    %slice3A_39 = vector.extract_strided_slice %get3A_34 {offsets = [0, 64], sizes = [2048, 64], strides = [1, 1]} : vector<2048x128xf32> to vector<2048x64xf32>
    %slice3A_40 = vector.extract_strided_slice %get3A_34 {offsets = [0, 0], sizes = [2048, 64], strides = [1, 1]} : vector<2048x128xf32> to vector<2048x64xf32>
    %broadcast_in_dim3A_41 = vector.shape_cast %gt3A_38 : vector<2048x1xi1> to vector<2048x1xi1>
    %broadcast_in_dim3A_42 = vector.broadcast %broadcast_in_dim3A_41 : vector<2048x1xi1> to vector<2048x64xi1>
    %select_n3A_43 = arith.select %broadcast_in_dim3A_42, %slice3A_39, %slice3A_40 : vector<2048x64xi1>, vector<2048x64xf32>
    %bitcast_convert_type3A_44 = tpu.bitcast %select_n3A_43 : vector<2048x64xf32> -> vector<2048x64xi32>
    %slice3A_45 = vector.extract_strided_slice %transpose3A {offsets = [0, 5], sizes = [2048, 1], strides = [1, 1]} : vector<2048x8xf32> to vector<2048x1xf32>
    %gt3A_46 = arith.constant 5.000000e-01 : f32
    %gt3A_47 = vector.broadcast %gt3A_46 : f32 to vector<2048x1xf32>
    %gt3A_48 = arith.cmpf ogt, %slice3A_45, %gt3A_47 : vector<2048x1xf32>
    %shift_left3A_49 = arith.constant 16 : i32
    %shift_left3A_50 = vector.broadcast %shift_left3A_49 : i32 to vector<2048x64xi32>
    %shift_left3A_51 = arith.shli %bitcast_convert_type3A_44, %shift_left3A_50 : vector<2048x64xi32>
    %bitcast_convert_type3A_52 = tpu.bitcast %shift_left3A_51 : vector<2048x64xi32> -> vector<2048x64xf32>
    %and3A_53 = arith.constant -65536 : i32
    %and3A_54 = vector.broadcast %and3A_53 : i32 to vector<2048x64xi32>
    %and3A_55 = arith.andi %bitcast_convert_type3A_44, %and3A_54 : vector<2048x64xi32>
    %bitcast_convert_type3A_56 = tpu.bitcast %and3A_55 : vector<2048x64xi32> -> vector<2048x64xf32>
    %broadcast_in_dim3A_57 = vector.shape_cast %gt3A_48 : vector<2048x1xi1> to vector<2048x1xi1>
    %broadcast_in_dim3A_58 = vector.broadcast %broadcast_in_dim3A_57 : vector<2048x1xi1> to vector<2048x64xi1>
    %select_n3A_59 = arith.select %broadcast_in_dim3A_58, %bitcast_convert_type3A_52, %bitcast_convert_type3A_56 : vector<2048x64xi1>, vector<2048x64xf32>
    %get3A_60 = arith.constant 0 : index
    %get3A_61 = arith.constant 0 : index
    %get3A_62 = vector.load %arg4[%get3A_60, %get3A_61] : memref<2048x128xf32, #tpu.memory_space<vmem>>, vector<2048x128xf32>
    %slice3A_63 = vector.extract_strided_slice %transpose3A {offsets = [0, 6], sizes = [2048, 1], strides = [1, 1]} : vector<2048x8xf32> to vector<2048x1xf32>
    %gt3A_64 = arith.constant 5.000000e-01 : f32
    %gt3A_65 = vector.broadcast %gt3A_64 : f32 to vector<2048x1xf32>
    %gt3A_66 = arith.cmpf ogt, %slice3A_63, %gt3A_65 : vector<2048x1xf32>
    %slice3A_67 = vector.extract_strided_slice %get3A_62 {offsets = [0, 64], sizes = [2048, 64], strides = [1, 1]} : vector<2048x128xf32> to vector<2048x64xf32>
    %slice3A_68 = vector.extract_strided_slice %get3A_62 {offsets = [0, 0], sizes = [2048, 64], strides = [1, 1]} : vector<2048x128xf32> to vector<2048x64xf32>
    %broadcast_in_dim3A_69 = vector.shape_cast %gt3A_66 : vector<2048x1xi1> to vector<2048x1xi1>
    %broadcast_in_dim3A_70 = vector.broadcast %broadcast_in_dim3A_69 : vector<2048x1xi1> to vector<2048x64xi1>
    %select_n3A_71 = arith.select %broadcast_in_dim3A_70, %slice3A_67, %slice3A_68 : vector<2048x64xi1>, vector<2048x64xf32>
    %bitcast_convert_type3A_72 = tpu.bitcast %select_n3A_71 : vector<2048x64xf32> -> vector<2048x64xi32>
    %slice3A_73 = vector.extract_strided_slice %transpose3A {offsets = [0, 7], sizes = [2048, 1], strides = [1, 1]} : vector<2048x8xf32> to vector<2048x1xf32>
    %gt3A_74 = arith.constant 5.000000e-01 : f32
    %gt3A_75 = vector.broadcast %gt3A_74 : f32 to vector<2048x1xf32>
    %gt3A_76 = arith.cmpf ogt, %slice3A_73, %gt3A_75 : vector<2048x1xf32>
    %shift_left3A_77 = arith.constant 16 : i32
    %shift_left3A_78 = vector.broadcast %shift_left3A_77 : i32 to vector<2048x64xi32>
    %shift_left3A_79 = arith.shli %bitcast_convert_type3A_72, %shift_left3A_78 : vector<2048x64xi32>
    %bitcast_convert_type3A_80 = tpu.bitcast %shift_left3A_79 : vector<2048x64xi32> -> vector<2048x64xf32>
    %and3A_81 = arith.constant -65536 : i32
    %and3A_82 = vector.broadcast %and3A_81 : i32 to vector<2048x64xi32>
    %and3A_83 = arith.andi %bitcast_convert_type3A_72, %and3A_82 : vector<2048x64xi32>
    %bitcast_convert_type3A_84 = tpu.bitcast %and3A_83 : vector<2048x64xi32> -> vector<2048x64xf32>
    %broadcast_in_dim3A_85 = vector.shape_cast %gt3A_76 : vector<2048x1xi1> to vector<2048x1xi1>
    %broadcast_in_dim3A_86 = vector.broadcast %broadcast_in_dim3A_85 : vector<2048x1xi1> to vector<2048x64xi1>
    %select_n3A_87 = arith.select %broadcast_in_dim3A_86, %bitcast_convert_type3A_80, %bitcast_convert_type3A_84 : vector<2048x64xi1>, vector<2048x64xf32>
    %broadcast_in_dim3A_88 = arith.constant 1.000000e+00 : f32
    %broadcast_in_dim3A_89 = vector.broadcast %broadcast_in_dim3A_88 : f32 to vector<1x64xf32>
    %mul3A_90 = arith.mulf %select_n3A_24, %select_n3A_24 : vector<2048x64xf32>
    %dot_general3A = arith.constant dense<0.000000e+00> : vector<1x2048xf32>
    %dot_general3A_91 = tpu.matmul %broadcast_in_dim3A_89, %mul3A_90, %dot_general3A {dimension_numbers = #tpu.dot_dimension_numbers<[1], [1], [0], [0], [0, 0, 1, 0], [], []>, transpose_lhs_hint = false} : vector<1x64xf32>, vector<2048x64xf32>, vector<1x2048xf32> -> vector<1x2048xf32>
    %mul3A_92 = arith.mulf %select_n3A_59, %select_n3A_59 : vector<2048x64xf32>
    %dot_general3A_93 = arith.constant dense<0.000000e+00> : vector<1x2048xf32>
    %dot_general3A_94 = tpu.matmul %broadcast_in_dim3A_89, %mul3A_92, %dot_general3A_93 {dimension_numbers = #tpu.dot_dimension_numbers<[1], [1], [0], [0], [0, 0, 1, 0], [], []>, transpose_lhs_hint = false} : vector<1x64xf32>, vector<2048x64xf32>, vector<1x2048xf32> -> vector<1x2048xf32>
    %mul3A_95 = arith.mulf %select_n3A_87, %select_n3A_87 : vector<2048x64xf32>
    %dot_general3A_96 = arith.constant dense<0.000000e+00> : vector<1x2048xf32>
    %dot_general3A_97 = tpu.matmul %broadcast_in_dim3A_89, %mul3A_95, %dot_general3A_96 {dimension_numbers = #tpu.dot_dimension_numbers<[1], [1], [0], [0], [0, 0, 1, 0], [], []>, transpose_lhs_hint = false} : vector<1x64xf32>, vector<2048x64xf32>, vector<1x2048xf32> -> vector<1x2048xf32>
    %mul3A_98 = arith.mulf %add3A, %add3A : vector<2048x64xf32>
    %dot_general3A_99 = arith.constant dense<0.000000e+00> : vector<1x2048xf32>
    %dot_general3A_100 = tpu.matmul %broadcast_in_dim3A_89, %mul3A_98, %dot_general3A_99 {dimension_numbers = #tpu.dot_dimension_numbers<[1], [1], [0], [0], [0, 0, 1, 0], [], []>, transpose_lhs_hint = false} : vector<1x64xf32>, vector<2048x64xf32>, vector<1x2048xf32> -> vector<1x2048xf32>
    %mul3A_101 = arith.mulf %select_n3A_24, %add3A : vector<2048x64xf32>
    %dot_general3A_102 = arith.constant dense<0.000000e+00> : vector<1x2048xf32>
    %dot_general3A_103 = tpu.matmul %broadcast_in_dim3A_89, %mul3A_101, %dot_general3A_102 {dimension_numbers = #tpu.dot_dimension_numbers<[1], [1], [0], [0], [0, 0, 1, 0], [], []>, transpose_lhs_hint = false} : vector<1x64xf32>, vector<2048x64xf32>, vector<1x2048xf32> -> vector<1x2048xf32>
    %mul3A_104 = arith.mulf %select_n3A_24, %select_n3A_59 : vector<2048x64xf32>
    %dot_general3A_105 = arith.constant dense<0.000000e+00> : vector<1x2048xf32>
    %dot_general3A_106 = tpu.matmul %broadcast_in_dim3A_89, %mul3A_104, %dot_general3A_105 {dimension_numbers = #tpu.dot_dimension_numbers<[1], [1], [0], [0], [0, 0, 1, 0], [], []>, transpose_lhs_hint = false} : vector<1x64xf32>, vector<2048x64xf32>, vector<1x2048xf32> -> vector<1x2048xf32>
    %mul3A_107 = arith.mulf %select_n3A_24, %select_n3A_87 : vector<2048x64xf32>
    %dot_general3A_108 = arith.constant dense<0.000000e+00> : vector<1x2048xf32>
    %dot_general3A_109 = tpu.matmul %broadcast_in_dim3A_89, %mul3A_107, %dot_general3A_108 {dimension_numbers = #tpu.dot_dimension_numbers<[1], [1], [0], [0], [0, 0, 1, 0], [], []>, transpose_lhs_hint = false} : vector<1x64xf32>, vector<2048x64xf32>, vector<1x2048xf32> -> vector<1x2048xf32>
    %mul3A_110 = arith.mulf %add3A, %select_n3A_59 : vector<2048x64xf32>
    %dot_general3A_111 = arith.constant dense<0.000000e+00> : vector<1x2048xf32>
    %dot_general3A_112 = tpu.matmul %broadcast_in_dim3A_89, %mul3A_110, %dot_general3A_111 {dimension_numbers = #tpu.dot_dimension_numbers<[1], [1], [0], [0], [0, 0, 1, 0], [], []>, transpose_lhs_hint = false} : vector<1x64xf32>, vector<2048x64xf32>, vector<1x2048xf32> -> vector<1x2048xf32>
    %mul3A_113 = arith.mulf %add3A, %select_n3A_87 : vector<2048x64xf32>
    %dot_general3A_114 = arith.constant dense<0.000000e+00> : vector<1x2048xf32>
    %dot_general3A_115 = tpu.matmul %broadcast_in_dim3A_89, %mul3A_113, %dot_general3A_114 {dimension_numbers = #tpu.dot_dimension_numbers<[1], [1], [0], [0], [0, 0, 1, 0], [], []>, transpose_lhs_hint = false} : vector<1x64xf32>, vector<2048x64xf32>, vector<1x2048xf32> -> vector<1x2048xf32>
    %sqrt3A = math.sqrt %dot_general3A_91 : vector<1x2048xf32>
    %max3A = arith.constant 9.99999996E-13 : f32
    %max3A_116 = vector.broadcast %max3A : f32 to vector<1x2048xf32>
    %max3A_117 = arith.maximumf %sqrt3A, %max3A_116 : vector<1x2048xf32>
    %sqrt3A_118 = math.sqrt %dot_general3A_94 : vector<1x2048xf32>
    %max3A_119 = arith.constant 9.99999996E-13 : f32
    %max3A_120 = vector.broadcast %max3A_119 : f32 to vector<1x2048xf32>
    %max3A_121 = arith.maximumf %sqrt3A_118, %max3A_120 : vector<1x2048xf32>
    %sqrt3A_122 = math.sqrt %dot_general3A_97 : vector<1x2048xf32>
    %max3A_123 = arith.constant 9.99999996E-13 : f32
    %max3A_124 = vector.broadcast %max3A_123 : f32 to vector<1x2048xf32>
    %max3A_125 = arith.maximumf %sqrt3A_122, %max3A_124 : vector<1x2048xf32>
    %mul3A_126 = arith.mulf %max3A_117, %max3A_117 : vector<1x2048xf32>
    %div3A = arith.divf %dot_general3A_91, %mul3A_126 : vector<1x2048xf32>
    %mul3A_127 = arith.mulf %max3A_121, %max3A_121 : vector<1x2048xf32>
    %div3A_128 = arith.divf %dot_general3A_94, %mul3A_127 : vector<1x2048xf32>
    %add3A_129 = arith.addf %div3A, %div3A_128 : vector<1x2048xf32>
    %add3A_130 = arith.addf %add3A_129, %dot_general3A_100 : vector<1x2048xf32>
    %div3A_131 = arith.divf %dot_general3A_103, %max3A_117 : vector<1x2048xf32>
    %mul3A_132 = arith.mulf %max3A_117, %max3A_121 : vector<1x2048xf32>
    %div3A_133 = arith.divf %dot_general3A_106, %mul3A_132 : vector<1x2048xf32>
    %sub3A_134 = arith.subf %div3A_131, %div3A_133 : vector<1x2048xf32>
    %div3A_135 = arith.divf %dot_general3A_112, %max3A_121 : vector<1x2048xf32>
    %sub3A_136 = arith.subf %sub3A_134, %div3A_135 : vector<1x2048xf32>
    %mul3A_137 = arith.constant 2.000000e+00 : f32
    %mul3A_138 = vector.broadcast %mul3A_137 : f32 to vector<1x2048xf32>
    %mul3A_139 = arith.mulf %mul3A_138, %sub3A_136 : vector<1x2048xf32>
    %add3A_140 = arith.addf %add3A_130, %mul3A_139 : vector<1x2048xf32>
    %mul3A_141 = arith.mulf %max3A_125, %max3A_125 : vector<1x2048xf32>
    %div3A_142 = arith.divf %dot_general3A_97, %mul3A_141 : vector<1x2048xf32>
    %add3A_143 = arith.addf %div3A, %div3A_142 : vector<1x2048xf32>
    %add3A_144 = arith.addf %add3A_143, %dot_general3A_100 : vector<1x2048xf32>
    %div3A_145 = arith.divf %dot_general3A_103, %max3A_117 : vector<1x2048xf32>
    %mul3A_146 = arith.mulf %max3A_117, %max3A_125 : vector<1x2048xf32>
    %div3A_147 = arith.divf %dot_general3A_109, %mul3A_146 : vector<1x2048xf32>
    %sub3A_148 = arith.subf %div3A_145, %div3A_147 : vector<1x2048xf32>
    %div3A_149 = arith.divf %dot_general3A_115, %max3A_125 : vector<1x2048xf32>
    %sub3A_150 = arith.subf %sub3A_148, %div3A_149 : vector<1x2048xf32>
    %mul3A_151 = arith.constant 2.000000e+00 : f32
    %mul3A_152 = vector.broadcast %mul3A_151 : f32 to vector<1x2048xf32>
    %mul3A_153 = arith.mulf %mul3A_152, %sub3A_150 : vector<1x2048xf32>
    %add3A_154 = arith.addf %add3A_144, %mul3A_153 : vector<1x2048xf32>
    %max3A_155 = arith.constant 0.000000e+00 : f32
    %max3A_156 = vector.broadcast %max3A_155 : f32 to vector<1x2048xf32>
    %max3A_157 = arith.maximumf %add3A_140, %max3A_156 : vector<1x2048xf32>
    %add3A_158 = arith.constant 9.99999996E-13 : f32
    %add3A_159 = vector.broadcast %add3A_158 : f32 to vector<1x2048xf32>
    %add3A_160 = arith.addf %max3A_157, %add3A_159 : vector<1x2048xf32>
    %sqrt3A_161 = math.sqrt %add3A_160 : vector<1x2048xf32>
    %neg3A = arith.constant 0.000000e+00 : f32
    %neg3A_162 = vector.broadcast %neg3A : f32 to vector<1x2048xf32>
    %neg3A_163 = arith.subf %neg3A_162, %sqrt3A_161 : vector<1x2048xf32>
    %max3A_164 = arith.constant 0.000000e+00 : f32
    %max3A_165 = vector.broadcast %max3A_164 : f32 to vector<1x2048xf32>
    %max3A_166 = arith.maximumf %add3A_154, %max3A_165 : vector<1x2048xf32>
    %add3A_167 = arith.constant 9.99999996E-13 : f32
    %add3A_168 = vector.broadcast %add3A_167 : f32 to vector<1x2048xf32>
    %add3A_169 = arith.addf %max3A_166, %add3A_168 : vector<1x2048xf32>
    %sqrt3A_170 = math.sqrt %add3A_169 : vector<1x2048xf32>
    %neg3A_171 = arith.constant 0.000000e+00 : f32
    %neg3A_172 = vector.broadcast %neg3A_171 : f32 to vector<1x2048xf32>
    %neg3A_173 = arith.subf %neg3A_172, %sqrt3A_170 : vector<1x2048xf32>
    %sub3A_174 = arith.subf %neg3A_173, %neg3A_163 : vector<1x2048xf32>
    %add3A_175 = arith.constant 1.000000e+00 : f32
    %add3A_176 = vector.broadcast %add3A_175 : f32 to vector<1x2048xf32>
    %add3A_177 = arith.addf %sub3A_174, %add3A_176 : vector<1x2048xf32>
    %max3A_178 = arith.constant 0.000000e+00 : f32
    %max3A_179 = vector.broadcast %max3A_178 : f32 to vector<1x2048xf32>
    %max3A_180 = arith.maximumf %max3A_179, %add3A_177 : vector<1x2048xf32>
    %get3A_181 = arith.constant 0 : index
    %get3A_182 = memref.load %arg9[%get3A_181] : memref<1xf32, #tpu.memory_space<smem>>
    %reduce_sum3A = vector.shape_cast %max3A_180 : vector<1x2048xf32> to vector<1x1x2048xf32>
    %reduce_sum3A_183 = arith.constant dense<0.000000e+00> : vector<1xf32>
    %reduce_sum3A_184 = vector.multi_reduction <add>, %reduce_sum3A, %reduce_sum3A_183 [1, 2] : vector<1x1x2048xf32> to vector<1xf32>
    %reduce_sum3A_185 = vector.shape_cast %reduce_sum3A_184 : vector<1xf32> to vector<1x1x1xf32>
    %reduce_sum3A_186 = vector.extract %reduce_sum3A_185[0, 0, 0] : f32 from vector<1x1x1xf32>
    %add3A_187 = arith.addf %get3A_182, %reduce_sum3A_186 : f32
    %swap3A = arith.constant 0 : index
    %swap3A_188 = memref.load %arg9[%swap3A] : memref<1xf32, #tpu.memory_space<smem>>
    memref.store %add3A_187, %arg9[%swap3A] : memref<1xf32, #tpu.memory_space<smem>>
    %eq3A_189 = arith.constant 3 : i32
    %eq3A_190 = arith.cmpi eq, %arg0, %eq3A_189 : i32
    %convert_element_type3A_191 = arith.extui %eq3A_190 : i1 to i32
    %cond3A_192 = arith.constant 0 : i32
    %cond3A_193 = arith.cmpi ne, %convert_element_type3A_191, %cond3A_192 : i32
    scf.if %cond3A_193 {
      %get3A_194 = arith.constant 0 : index
      %get3A_195 = memref.load %arg9[%get3A_194] : memref<1xf32, #tpu.memory_space<smem>>
      %swap3A_196 = arith.constant 0 : index
      %swap3A_197 = memref.load %arg8[%swap3A_196] : memref<1xf32, #tpu.memory_space<smem>>
      memref.store %get3A_195, %arg8[%swap3A_196] : memref<1xf32, #tpu.memory_space<smem>>
    } else {
    }
    return
  }
  func.func @transform_0(%arg0: i32) -> (i32, i32) {
    %c0_i32 = arith.constant 0 : i32
    %c0_i32_0 = arith.constant 0 : i32
    return %arg0, %c0_i32 : i32, i32
  }
  func.func @transform_1(%arg0: i32) -> (i32, i32) {
    %add3A = arith.constant 0 : i32
    %add3A_0 = arith.addi %arg0, %add3A : i32
    %c0_i32 = arith.constant 0 : i32
    %c0_i32_1 = arith.constant 0 : i32
    return %add3A_0, %c0_i32 : i32, i32
  }
  func.func @transform_2(%arg0: i32) -> (i32, i32) {
    %c0_i32 = arith.constant 0 : i32
    %c0_i32_0 = arith.constant 0 : i32
    return %arg0, %c0_i32 : i32, i32
  }
  func.func @transform_3(%arg0: i32) -> (i32, i32) {
    %c0_i32 = arith.constant 0 : i32
    %c0_i32_0 = arith.constant 0 : i32
    return %arg0, %c0_i32 : i32, i32
  }
  func.func @transform_4(%arg0: i32) -> (i32, i32) {
    %add3A = arith.constant 0 : i32
    %add3A_0 = arith.addi %arg0, %add3A : i32
    %c0_i32 = arith.constant 0 : i32
    %c0_i32_1 = arith.constant 0 : i32
    return %c0_i32, %add3A_0 : i32, i32
  }
  func.func @transform_5(%arg0: i32) -> i32 {
    %c0_i32 = arith.constant 0 : i32
    %c0_i32_0 = arith.constant 0 : i32
    return %c0_i32 : i32
  }
  func.func @transform_6(%arg0: i32) -> i32 {
    %c0_i32 = arith.constant 0 : i32
    %c0_i32_0 = arith.constant 0 : i32
    return %c0_i32 : i32
  }
  func.func @transform_7(%arg0: i32) -> i32 {
    %c0_i32 = arith.constant 0 : i32
    %c0_i32_0 = arith.constant 0 : i32
    return %c0_i32 : i32
  }
}

module attributes {stable_mosaic.version = 14 : i64} {
  func.func @_score_body(%arg0: i32, %arg1: memref<2048x128xf32, #tpu.memory_space<vmem>>, %arg2: memref<2048x128xf32, #tpu.memory_space<vmem>>, %arg3: memref<2048x128xf32, #tpu.memory_space<vmem>>, %arg4: memref<2048x128xf32, #tpu.memory_space<vmem>>, %arg5: memref<8x2048xf32, #tpu.memory_space<vmem>>, %arg6: memref<2xf32, #tpu.memory_space<smem>>, %arg7: memref<1xf32, #tpu.memory_space<smem>>, %arg8: memref<1xf32, #tpu.memory_space<smem>>, %arg9: memref<1xf32, #tpu.memory_space<smem>>) attributes {dimension_semantics = [#tpu.dimension_semantics<arbitrary>], iteration_bounds = array<i64: 4>, scalar_prefetch = 0 : i64, scratch_operands = 1 : i64, tpu.core_type = #tpu.core_type<tc>, window_params = [{transform_indices = @transform_0, window_bounds = array<i64: 2048, 128>}, {transform_indices = @transform_1, window_bounds = array<i64: 2048, 128>}, {transform_indices = @transform_2, window_bounds = array<i64: 2048, 128>}, {transform_indices = @transform_3, window_bounds = array<i64: 2048, 128>}, {transform_indices = @transform_4, window_bounds = array<i64: 8, 2048>}, {transform_indices = @transform_5, window_bounds = array<i64: 2>}, {transform_indices = @transform_6, window_bounds = array<i64: 1>}, {transform_indices = @transform_7, window_bounds = array<i64: 1>}]} {
    %eq3A = arith.constant 0 : i32
    %eq3A_0 = arith.cmpi eq, %arg0, %eq3A : i32
    %convert_element_type3A = arith.extui %eq3A_0 : i1 to i32
    %cond3A = arith.constant 0 : i32
    %cond3A_1 = arith.cmpi ne, %convert_element_type3A, %cond3A : i32
    scf.if %cond3A_1 {
      %get3A_194 = arith.constant 0 : index
      %get3A_195 = memref.load %arg7[%get3A_194] : memref<1xf32, #tpu.memory_space<smem>>
      %swap3A_196 = arith.constant 0 : index
      %swap3A_197 = memref.load %arg9[%swap3A_196] : memref<1xf32, #tpu.memory_space<smem>>
      memref.store %get3A_195, %arg9[%swap3A_196] : memref<1xf32, #tpu.memory_space<smem>>
    } else {
    }
    %get3A = arith.constant 0 : index
    %get3A_2 = arith.constant 0 : index
    %get3A_3 = vector.load %arg5[%get3A, %get3A_2] : memref<8x2048xf32, #tpu.memory_space<vmem>>, vector<8x2048xf32>
    %transpose3A = tpu.transpose %get3A_3, [1, 0] : vector<8x2048xf32> -> vector<2048x8xf32>
    %get3A_4 = arith.constant 0 : index
    %get3A_5 = arith.constant 0 : index
    %get3A_6 = vector.load %arg1[%get3A_4, %get3A_5] : memref<2048x128xf32, #tpu.memory_space<vmem>>, vector<2048x128xf32>
    %slice3A = vector.extract_strided_slice %transpose3A {offsets = [0, 0], sizes = [2048, 1], strides = [1, 1]} : vector<2048x8xf32> to vector<2048x1xf32>
    %gt3A = arith.constant 5.000000e-01 : f32
    %gt3A_7 = vector.broadcast %gt3A : f32 to vector<2048x1xf32>
    %gt3A_8 = arith.cmpf ogt, %slice3A, %gt3A_7 : vector<2048x1xf32>
    %slice3A_9 = vector.extract_strided_slice %get3A_6 {offsets = [0, 64], sizes = [2048, 64], strides = [1, 1]} : vector<2048x128xf32> to vector<2048x64xf32>
    %slice3A_10 = vector.extract_strided_slice %get3A_6 {offsets = [0, 0], sizes = [2048, 64], strides = [1, 1]} : vector<2048x128xf32> to vector<2048x64xf32>
    %broadcast_in_dim3A = vector.shape_cast %gt3A_8 : vector<2048x1xi1> to vector<2048x1xi1>
    %broadcast_in_dim3A_11 = vector.broadcast %broadcast_in_dim3A : vector<2048x1xi1> to vector<2048x64xi1>
    %select_n3A = arith.select %broadcast_in_dim3A_11, %slice3A_9, %slice3A_10 : vector<2048x64xi1>, vector<2048x64xf32>
    %bitcast_convert_type3A = tpu.bitcast %select_n3A : vector<2048x64xf32> -> vector<2048x64xi32>
    %slice3A_12 = vector.extract_strided_slice %transpose3A {offsets = [0, 1], sizes = [2048, 1], strides = [1, 1]} : vector<2048x8xf32> to vector<2048x1xf32>
    %gt3A_13 = arith.constant 5.000000e-01 : f32
    %gt3A_14 = vector.broadcast %gt3A_13 : f32 to vector<2048x1xf32>
    %gt3A_15 = arith.cmpf ogt, %slice3A_12, %gt3A_14 : vector<2048x1xf32>
    %shift_left3A = arith.constant 16 : i32
    %shift_left3A_16 = vector.broadcast %shift_left3A : i32 to vector<2048x64xi32>
    %shift_left3A_17 = arith.shli %bitcast_convert_type3A, %shift_left3A_16 : vector<2048x64xi32>
    %bitcast_convert_type3A_18 = tpu.bitcast %shift_left3A_17 : vector<2048x64xi32> -> vector<2048x64xf32>
    %and3A = arith.constant -65536 : i32
    %and3A_19 = vector.broadcast %and3A : i32 to vector<2048x64xi32>
    %and3A_20 = arith.andi %bitcast_convert_type3A, %and3A_19 : vector<2048x64xi32>
    %bitcast_convert_type3A_21 = tpu.bitcast %and3A_20 : vector<2048x64xi32> -> vector<2048x64xf32>
    %broadcast_in_dim3A_22 = vector.shape_cast %gt3A_15 : vector<2048x1xi1> to vector<2048x1xi1>
    %broadcast_in_dim3A_23 = vector.broadcast %broadcast_in_dim3A_22 : vector<2048x1xi1> to vector<2048x64xi1>
    %select_n3A_24 = arith.select %broadcast_in_dim3A_23, %bitcast_convert_type3A_18, %bitcast_convert_type3A_21 : vector<2048x64xi1>, vector<2048x64xf32>
    %get3A_25 = arith.constant 0 : index
    %get3A_26 = arith.constant 0 : index
    %get3A_27 = vector.load %arg2[%get3A_25, %get3A_26] : memref<2048x128xf32, #tpu.memory_space<vmem>>, vector<2048x128xf32>
    %slice3A_28 = vector.extract_strided_slice %get3A_27 {offsets = [0, 0], sizes = [2048, 64], strides = [1, 1]} : vector<2048x128xf32> to vector<2048x64xf32>
    %slice3A_29 = vector.extract_strided_slice %get3A_27 {offsets = [0, 64], sizes = [2048, 64], strides = [1, 1]} : vector<2048x128xf32> to vector<2048x64xf32>
    %slice3A_30 = vector.extract_strided_slice %transpose3A {offsets = [0, 2], sizes = [2048, 1], strides = [1, 1]} : vector<2048x8xf32> to vector<2048x1xf32>
    %sub3A = arith.subf %slice3A_29, %slice3A_28 : vector<2048x64xf32>
    %mul3A = vector.broadcast %slice3A_30 : vector<2048x1xf32> to vector<2048x64xf32>
    %mul3A_31 = arith.mulf %mul3A, %sub3A : vector<2048x64xf32>
    %add3A = arith.addf %slice3A_28, %mul3A_31 : vector<2048x64xf32>
    %get3A_32 = arith.constant 0 : index
    %get3A_33 = arith.constant 0 : index
    %get3A_34 = vector.load %arg3[%get3A_32, %get3A_33] : memref<2048x128xf32, #tpu.memory_space<vmem>>, vector<2048x128xf32>
    %slice3A_35 = vector.extract_strided_slice %transpose3A {offsets = [0, 4], sizes = [2048, 1], strides = [1, 1]} : vector<2048x8xf32> to vector<2048x1xf32>
    %gt3A_36 = arith.constant 5.000000e-01 : f32
    %gt3A_37 = vector.broadcast %gt3A_36 : f32 to vector<2048x1xf32>
    %gt3A_38 = arith.cmpf ogt, %slice3A_35, %gt3A_37 : vector<2048x1xf32>
    %slice3A_39 = vector.extract_strided_slice %get3A_34 {offsets = [0, 64], sizes = [2048, 64], strides = [1, 1]} : vector<2048x128xf32> to vector<2048x64xf32>
    %slice3A_40 = vector.extract_strided_slice %get3A_34 {offsets = [0, 0], sizes = [2048, 64], strides = [1, 1]} : vector<2048x128xf32> to vector<2048x64xf32>
    %broadcast_in_dim3A_41 = vector.shape_cast %gt3A_38 : vector<2048x1xi1> to vector<2048x1xi1>
    %broadcast_in_dim3A_42 = vector.broadcast %broadcast_in_dim3A_41 : vector<2048x1xi1> to vector<2048x64xi1>
    %select_n3A_43 = arith.select %broadcast_in_dim3A_42, %slice3A_39, %slice3A_40 : vector<2048x64xi1>, vector<2048x64xf32>
    %bitcast_convert_type3A_44 = tpu.bitcast %select_n3A_43 : vector<2048x64xf32> -> vector<2048x64xi32>
    %slice3A_45 = vector.extract_strided_slice %transpose3A {offsets = [0, 5], sizes = [2048, 1], strides = [1, 1]} : vector<2048x8xf32> to vector<2048x1xf32>
    %gt3A_46 = arith.constant 5.000000e-01 : f32
    %gt3A_47 = vector.broadcast %gt3A_46 : f32 to vector<2048x1xf32>
    %gt3A_48 = arith.cmpf ogt, %slice3A_45, %gt3A_47 : vector<2048x1xf32>
    %shift_left3A_49 = arith.constant 16 : i32
    %shift_left3A_50 = vector.broadcast %shift_left3A_49 : i32 to vector<2048x64xi32>
    %shift_left3A_51 = arith.shli %bitcast_convert_type3A_44, %shift_left3A_50 : vector<2048x64xi32>
    %bitcast_convert_type3A_52 = tpu.bitcast %shift_left3A_51 : vector<2048x64xi32> -> vector<2048x64xf32>
    %and3A_53 = arith.constant -65536 : i32
    %and3A_54 = vector.broadcast %and3A_53 : i32 to vector<2048x64xi32>
    %and3A_55 = arith.andi %bitcast_convert_type3A_44, %and3A_54 : vector<2048x64xi32>
    %bitcast_convert_type3A_56 = tpu.bitcast %and3A_55 : vector<2048x64xi32> -> vector<2048x64xf32>
    %broadcast_in_dim3A_57 = vector.shape_cast %gt3A_48 : vector<2048x1xi1> to vector<2048x1xi1>
    %broadcast_in_dim3A_58 = vector.broadcast %broadcast_in_dim3A_57 : vector<2048x1xi1> to vector<2048x64xi1>
    %select_n3A_59 = arith.select %broadcast_in_dim3A_58, %bitcast_convert_type3A_52, %bitcast_convert_type3A_56 : vector<2048x64xi1>, vector<2048x64xf32>
    %get3A_60 = arith.constant 0 : index
    %get3A_61 = arith.constant 0 : index
    %get3A_62 = vector.load %arg4[%get3A_60, %get3A_61] : memref<2048x128xf32, #tpu.memory_space<vmem>>, vector<2048x128xf32>
    %slice3A_63 = vector.extract_strided_slice %transpose3A {offsets = [0, 6], sizes = [2048, 1], strides = [1, 1]} : vector<2048x8xf32> to vector<2048x1xf32>
    %gt3A_64 = arith.constant 5.000000e-01 : f32
    %gt3A_65 = vector.broadcast %gt3A_64 : f32 to vector<2048x1xf32>
    %gt3A_66 = arith.cmpf ogt, %slice3A_63, %gt3A_65 : vector<2048x1xf32>
    %slice3A_67 = vector.extract_strided_slice %get3A_62 {offsets = [0, 64], sizes = [2048, 64], strides = [1, 1]} : vector<2048x128xf32> to vector<2048x64xf32>
    %slice3A_68 = vector.extract_strided_slice %get3A_62 {offsets = [0, 0], sizes = [2048, 64], strides = [1, 1]} : vector<2048x128xf32> to vector<2048x64xf32>
    %broadcast_in_dim3A_69 = vector.shape_cast %gt3A_66 : vector<2048x1xi1> to vector<2048x1xi1>
    %broadcast_in_dim3A_70 = vector.broadcast %broadcast_in_dim3A_69 : vector<2048x1xi1> to vector<2048x64xi1>
    %select_n3A_71 = arith.select %broadcast_in_dim3A_70, %slice3A_67, %slice3A_68 : vector<2048x64xi1>, vector<2048x64xf32>
    %bitcast_convert_type3A_72 = tpu.bitcast %select_n3A_71 : vector<2048x64xf32> -> vector<2048x64xi32>
    %slice3A_73 = vector.extract_strided_slice %transpose3A {offsets = [0, 7], sizes = [2048, 1], strides = [1, 1]} : vector<2048x8xf32> to vector<2048x1xf32>
    %gt3A_74 = arith.constant 5.000000e-01 : f32
    %gt3A_75 = vector.broadcast %gt3A_74 : f32 to vector<2048x1xf32>
    %gt3A_76 = arith.cmpf ogt, %slice3A_73, %gt3A_75 : vector<2048x1xf32>
    %shift_left3A_77 = arith.constant 16 : i32
    %shift_left3A_78 = vector.broadcast %shift_left3A_77 : i32 to vector<2048x64xi32>
    %shift_left3A_79 = arith.shli %bitcast_convert_type3A_72, %shift_left3A_78 : vector<2048x64xi32>
    %bitcast_convert_type3A_80 = tpu.bitcast %shift_left3A_79 : vector<2048x64xi32> -> vector<2048x64xf32>
    %and3A_81 = arith.constant -65536 : i32
    %and3A_82 = vector.broadcast %and3A_81 : i32 to vector<2048x64xi32>
    %and3A_83 = arith.andi %bitcast_convert_type3A_72, %and3A_82 : vector<2048x64xi32>
    %bitcast_convert_type3A_84 = tpu.bitcast %and3A_83 : vector<2048x64xi32> -> vector<2048x64xf32>
    %broadcast_in_dim3A_85 = vector.shape_cast %gt3A_76 : vector<2048x1xi1> to vector<2048x1xi1>
    %broadcast_in_dim3A_86 = vector.broadcast %broadcast_in_dim3A_85 : vector<2048x1xi1> to vector<2048x64xi1>
    %select_n3A_87 = arith.select %broadcast_in_dim3A_86, %bitcast_convert_type3A_80, %bitcast_convert_type3A_84 : vector<2048x64xi1>, vector<2048x64xf32>
    %broadcast_in_dim3A_88 = arith.constant 1.000000e+00 : f32
    %broadcast_in_dim3A_89 = vector.broadcast %broadcast_in_dim3A_88 : f32 to vector<1x64xf32>
    %mul3A_90 = arith.mulf %select_n3A_24, %select_n3A_24 : vector<2048x64xf32>
    %dot_general3A = arith.constant dense<0.000000e+00> : vector<1x2048xf32>
    %dot_general3A_91 = tpu.matmul %broadcast_in_dim3A_89, %mul3A_90, %dot_general3A {dimension_numbers = #tpu.dot_dimension_numbers<[1], [1], [0], [0], [0, 0, 1, 0], [], []>, transpose_lhs_hint = false} : vector<1x64xf32>, vector<2048x64xf32>, vector<1x2048xf32> -> vector<1x2048xf32>
    %mul3A_92 = arith.mulf %select_n3A_59, %select_n3A_59 : vector<2048x64xf32>
    %dot_general3A_93 = arith.constant dense<0.000000e+00> : vector<1x2048xf32>
    %dot_general3A_94 = tpu.matmul %broadcast_in_dim3A_89, %mul3A_92, %dot_general3A_93 {dimension_numbers = #tpu.dot_dimension_numbers<[1], [1], [0], [0], [0, 0, 1, 0], [], []>, transpose_lhs_hint = false} : vector<1x64xf32>, vector<2048x64xf32>, vector<1x2048xf32> -> vector<1x2048xf32>
    %mul3A_95 = arith.mulf %select_n3A_87, %select_n3A_87 : vector<2048x64xf32>
    %dot_general3A_96 = arith.constant dense<0.000000e+00> : vector<1x2048xf32>
    %dot_general3A_97 = tpu.matmul %broadcast_in_dim3A_89, %mul3A_95, %dot_general3A_96 {dimension_numbers = #tpu.dot_dimension_numbers<[1], [1], [0], [0], [0, 0, 1, 0], [], []>, transpose_lhs_hint = false} : vector<1x64xf32>, vector<2048x64xf32>, vector<1x2048xf32> -> vector<1x2048xf32>
    %mul3A_98 = arith.mulf %add3A, %add3A : vector<2048x64xf32>
    %dot_general3A_99 = arith.constant dense<0.000000e+00> : vector<1x2048xf32>
    %dot_general3A_100 = tpu.matmul %broadcast_in_dim3A_89, %mul3A_98, %dot_general3A_99 {dimension_numbers = #tpu.dot_dimension_numbers<[1], [1], [0], [0], [0, 0, 1, 0], [], []>, transpose_lhs_hint = false} : vector<1x64xf32>, vector<2048x64xf32>, vector<1x2048xf32> -> vector<1x2048xf32>
    %mul3A_101 = arith.mulf %select_n3A_24, %add3A : vector<2048x64xf32>
    %dot_general3A_102 = arith.constant dense<0.000000e+00> : vector<1x2048xf32>
    %dot_general3A_103 = tpu.matmul %broadcast_in_dim3A_89, %mul3A_101, %dot_general3A_102 {dimension_numbers = #tpu.dot_dimension_numbers<[1], [1], [0], [0], [0, 0, 1, 0], [], []>, transpose_lhs_hint = false} : vector<1x64xf32>, vector<2048x64xf32>, vector<1x2048xf32> -> vector<1x2048xf32>
    %mul3A_104 = arith.mulf %select_n3A_24, %select_n3A_59 : vector<2048x64xf32>
    %dot_general3A_105 = arith.constant dense<0.000000e+00> : vector<1x2048xf32>
    %dot_general3A_106 = tpu.matmul %broadcast_in_dim3A_89, %mul3A_104, %dot_general3A_105 {dimension_numbers = #tpu.dot_dimension_numbers<[1], [1], [0], [0], [0, 0, 1, 0], [], []>, transpose_lhs_hint = false} : vector<1x64xf32>, vector<2048x64xf32>, vector<1x2048xf32> -> vector<1x2048xf32>
    %mul3A_107 = arith.mulf %select_n3A_24, %select_n3A_87 : vector<2048x64xf32>
    %dot_general3A_108 = arith.constant dense<0.000000e+00> : vector<1x2048xf32>
    %dot_general3A_109 = tpu.matmul %broadcast_in_dim3A_89, %mul3A_107, %dot_general3A_108 {dimension_numbers = #tpu.dot_dimension_numbers<[1], [1], [0], [0], [0, 0, 1, 0], [], []>, transpose_lhs_hint = false} : vector<1x64xf32>, vector<2048x64xf32>, vector<1x2048xf32> -> vector<1x2048xf32>
    %mul3A_110 = arith.mulf %add3A, %select_n3A_59 : vector<2048x64xf32>
    %dot_general3A_111 = arith.constant dense<0.000000e+00> : vector<1x2048xf32>
    %dot_general3A_112 = tpu.matmul %broadcast_in_dim3A_89, %mul3A_110, %dot_general3A_111 {dimension_numbers = #tpu.dot_dimension_numbers<[1], [1], [0], [0], [0, 0, 1, 0], [], []>, transpose_lhs_hint = false} : vector<1x64xf32>, vector<2048x64xf32>, vector<1x2048xf32> -> vector<1x2048xf32>
    %mul3A_113 = arith.mulf %add3A, %select_n3A_87 : vector<2048x64xf32>
    %dot_general3A_114 = arith.constant dense<0.000000e+00> : vector<1x2048xf32>
    %dot_general3A_115 = tpu.matmul %broadcast_in_dim3A_89, %mul3A_113, %dot_general3A_114 {dimension_numbers = #tpu.dot_dimension_numbers<[1], [1], [0], [0], [0, 0, 1, 0], [], []>, transpose_lhs_hint = false} : vector<1x64xf32>, vector<2048x64xf32>, vector<1x2048xf32> -> vector<1x2048xf32>
    %sqrt3A = math.sqrt %dot_general3A_91 : vector<1x2048xf32>
    %max3A = arith.constant 9.99999996E-13 : f32
    %max3A_116 = vector.broadcast %max3A : f32 to vector<1x2048xf32>
    %max3A_117 = arith.maximumf %sqrt3A, %max3A_116 : vector<1x2048xf32>
    %sqrt3A_118 = math.sqrt %dot_general3A_94 : vector<1x2048xf32>
    %max3A_119 = arith.constant 9.99999996E-13 : f32
    %max3A_120 = vector.broadcast %max3A_119 : f32 to vector<1x2048xf32>
    %max3A_121 = arith.maximumf %sqrt3A_118, %max3A_120 : vector<1x2048xf32>
    %sqrt3A_122 = math.sqrt %dot_general3A_97 : vector<1x2048xf32>
    %max3A_123 = arith.constant 9.99999996E-13 : f32
    %max3A_124 = vector.broadcast %max3A_123 : f32 to vector<1x2048xf32>
    %max3A_125 = arith.maximumf %sqrt3A_122, %max3A_124 : vector<1x2048xf32>
    %mul3A_126 = arith.mulf %max3A_117, %max3A_117 : vector<1x2048xf32>
    %div3A = arith.divf %dot_general3A_91, %mul3A_126 : vector<1x2048xf32>
    %mul3A_127 = arith.mulf %max3A_121, %max3A_121 : vector<1x2048xf32>
    %div3A_128 = arith.divf %dot_general3A_94, %mul3A_127 : vector<1x2048xf32>
    %add3A_129 = arith.addf %div3A, %div3A_128 : vector<1x2048xf32>
    %add3A_130 = arith.addf %add3A_129, %dot_general3A_100 : vector<1x2048xf32>
    %div3A_131 = arith.divf %dot_general3A_103, %max3A_117 : vector<1x2048xf32>
    %mul3A_132 = arith.mulf %max3A_117, %max3A_121 : vector<1x2048xf32>
    %div3A_133 = arith.divf %dot_general3A_106, %mul3A_132 : vector<1x2048xf32>
    %sub3A_134 = arith.subf %div3A_131, %div3A_133 : vector<1x2048xf32>
    %div3A_135 = arith.divf %dot_general3A_112, %max3A_121 : vector<1x2048xf32>
    %sub3A_136 = arith.subf %sub3A_134, %div3A_135 : vector<1x2048xf32>
    %mul3A_137 = arith.constant 2.000000e+00 : f32
    %mul3A_138 = vector.broadcast %mul3A_137 : f32 to vector<1x2048xf32>
    %mul3A_139 = arith.mulf %mul3A_138, %sub3A_136 : vector<1x2048xf32>
    %add3A_140 = arith.addf %add3A_130, %mul3A_139 : vector<1x2048xf32>
    %mul3A_141 = arith.mulf %max3A_125, %max3A_125 : vector<1x2048xf32>
    %div3A_142 = arith.divf %dot_general3A_97, %mul3A_141 : vector<1x2048xf32>
    %add3A_143 = arith.addf %div3A, %div3A_142 : vector<1x2048xf32>
    %add3A_144 = arith.addf %add3A_143, %dot_general3A_100 : vector<1x2048xf32>
    %div3A_145 = arith.divf %dot_general3A_103, %max3A_117 : vector<1x2048xf32>
    %mul3A_146 = arith.mulf %max3A_117, %max3A_125 : vector<1x2048xf32>
    %div3A_147 = arith.divf %dot_general3A_109, %mul3A_146 : vector<1x2048xf32>
    %sub3A_148 = arith.subf %div3A_145, %div3A_147 : vector<1x2048xf32>
    %div3A_149 = arith.divf %dot_general3A_115, %max3A_125 : vector<1x2048xf32>
    %sub3A_150 = arith.subf %sub3A_148, %div3A_149 : vector<1x2048xf32>
    %mul3A_151 = arith.constant 2.000000e+00 : f32
    %mul3A_152 = vector.broadcast %mul3A_151 : f32 to vector<1x2048xf32>
    %mul3A_153 = arith.mulf %mul3A_152, %sub3A_150 : vector<1x2048xf32>
    %add3A_154 = arith.addf %add3A_144, %mul3A_153 : vector<1x2048xf32>
    %max3A_155 = arith.constant 0.000000e+00 : f32
    %max3A_156 = vector.broadcast %max3A_155 : f32 to vector<1x2048xf32>
    %max3A_157 = arith.maximumf %add3A_140, %max3A_156 : vector<1x2048xf32>
    %add3A_158 = arith.constant 9.99999996E-13 : f32
    %add3A_159 = vector.broadcast %add3A_158 : f32 to vector<1x2048xf32>
    %add3A_160 = arith.addf %max3A_157, %add3A_159 : vector<1x2048xf32>
    %sqrt3A_161 = math.sqrt %add3A_160 : vector<1x2048xf32>
    %neg3A = arith.constant 0.000000e+00 : f32
    %neg3A_162 = vector.broadcast %neg3A : f32 to vector<1x2048xf32>
    %neg3A_163 = arith.subf %neg3A_162, %sqrt3A_161 : vector<1x2048xf32>
    %max3A_164 = arith.constant 0.000000e+00 : f32
    %max3A_165 = vector.broadcast %max3A_164 : f32 to vector<1x2048xf32>
    %max3A_166 = arith.maximumf %add3A_154, %max3A_165 : vector<1x2048xf32>
    %add3A_167 = arith.constant 9.99999996E-13 : f32
    %add3A_168 = vector.broadcast %add3A_167 : f32 to vector<1x2048xf32>
    %add3A_169 = arith.addf %max3A_166, %add3A_168 : vector<1x2048xf32>
    %sqrt3A_170 = math.sqrt %add3A_169 : vector<1x2048xf32>
    %neg3A_171 = arith.constant 0.000000e+00 : f32
    %neg3A_172 = vector.broadcast %neg3A_171 : f32 to vector<1x2048xf32>
    %neg3A_173 = arith.subf %neg3A_172, %sqrt3A_170 : vector<1x2048xf32>
    %sub3A_174 = arith.subf %neg3A_173, %neg3A_163 : vector<1x2048xf32>
    %add3A_175 = arith.constant 1.000000e+00 : f32
    %add3A_176 = vector.broadcast %add3A_175 : f32 to vector<1x2048xf32>
    %add3A_177 = arith.addf %sub3A_174, %add3A_176 : vector<1x2048xf32>
    %max3A_178 = arith.constant 0.000000e+00 : f32
    %max3A_179 = vector.broadcast %max3A_178 : f32 to vector<1x2048xf32>
    %max3A_180 = arith.maximumf %max3A_179, %add3A_177 : vector<1x2048xf32>
    %get3A_181 = arith.constant 0 : index
    %get3A_182 = memref.load %arg9[%get3A_181] : memref<1xf32, #tpu.memory_space<smem>>
    %reduce_sum3A = vector.shape_cast %max3A_180 : vector<1x2048xf32> to vector<1x1x2048xf32>
    %reduce_sum3A_183 = arith.constant dense<0.000000e+00> : vector<1xf32>
    %reduce_sum3A_184 = vector.multi_reduction <add>, %reduce_sum3A, %reduce_sum3A_183 [1, 2] : vector<1x1x2048xf32> to vector<1xf32>
    %reduce_sum3A_185 = vector.shape_cast %reduce_sum3A_184 : vector<1xf32> to vector<1x1x1xf32>
    %reduce_sum3A_186 = vector.extract %reduce_sum3A_185[0, 0, 0] : f32 from vector<1x1x1xf32>
    %add3A_187 = arith.addf %get3A_182, %reduce_sum3A_186 : f32
    %swap3A = arith.constant 0 : index
    %swap3A_188 = memref.load %arg9[%swap3A] : memref<1xf32, #tpu.memory_space<smem>>
    memref.store %add3A_187, %arg9[%swap3A] : memref<1xf32, #tpu.memory_space<smem>>
    %eq3A_189 = arith.constant 3 : i32
    %eq3A_190 = arith.cmpi eq, %arg0, %eq3A_189 : i32
    %convert_element_type3A_191 = arith.extui %eq3A_190 : i1 to i32
    %cond3A_192 = arith.constant 0 : i32
    %cond3A_193 = arith.cmpi ne, %convert_element_type3A_191, %cond3A_192 : i32
    scf.if %cond3A_193 {
      %get3A_194 = arith.constant 0 : index
      %get3A_195 = memref.load %arg9[%get3A_194] : memref<1xf32, #tpu.memory_space<smem>>
      %div3A_196 = arith.constant 1.638400e+04 : f32
      %div3A_197 = arith.divf %get3A_195, %div3A_196 : f32
      %get3A_198 = arith.constant 0 : index
      %get3A_199 = memref.load %arg6[%get3A_198] : memref<2xf32, #tpu.memory_space<smem>>
      %get3A_200 = arith.constant 1 : index
      %get3A_201 = memref.load %arg6[%get3A_200] : memref<2xf32, #tpu.memory_space<smem>>
      %add3A_202 = arith.addf %get3A_199, %get3A_201 : f32
      %mul3A_203 = arith.constant 0.00999999977 : f32
      %mul3A_204 = arith.mulf %mul3A_203, %add3A_202 : f32
      %add3A_205 = arith.addf %div3A_197, %mul3A_204 : f32
      %swap3A_206 = arith.constant 0 : index
      %swap3A_207 = memref.load %arg8[%swap3A_206] : memref<1xf32, #tpu.memory_space<smem>>
      memref.store %add3A_205, %arg8[%swap3A_206] : memref<1xf32, #tpu.memory_space<smem>>
    } else {
    }
    return
  }
  func.func @transform_0(%arg0: i32) -> (i32, i32) {
    %c0_i32 = arith.constant 0 : i32
    %c0_i32_0 = arith.constant 0 : i32
    return %arg0, %c0_i32 : i32, i32
  }
  func.func @transform_1(%arg0: i32) -> (i32, i32) {
    %add3A = arith.constant 4 : i32
    %add3A_0 = arith.addi %arg0, %add3A : i32
    %c0_i32 = arith.constant 0 : i32
    %c0_i32_1 = arith.constant 0 : i32
    return %add3A_0, %c0_i32 : i32, i32
  }
  func.func @transform_2(%arg0: i32) -> (i32, i32) {
    %c0_i32 = arith.constant 0 : i32
    %c0_i32_0 = arith.constant 0 : i32
    return %arg0, %c0_i32 : i32, i32
  }
  func.func @transform_3(%arg0: i32) -> (i32, i32) {
    %c0_i32 = arith.constant 0 : i32
    %c0_i32_0 = arith.constant 0 : i32
    return %arg0, %c0_i32 : i32, i32
  }
  func.func @transform_4(%arg0: i32) -> (i32, i32) {
    %add3A = arith.constant 4 : i32
    %add3A_0 = arith.addi %arg0, %add3A : i32
    %c0_i32 = arith.constant 0 : i32
    %c0_i32_1 = arith.constant 0 : i32
    return %c0_i32, %add3A_0 : i32, i32
  }
  func.func @transform_5(%arg0: i32) -> i32 {
    %c0_i32 = arith.constant 0 : i32
    %c0_i32_0 = arith.constant 0 : i32
    return %c0_i32 : i32
  }
  func.func @transform_6(%arg0: i32) -> i32 {
    %c0_i32 = arith.constant 0 : i32
    %c0_i32_0 = arith.constant 0 : i32
    return %c0_i32 : i32
  }
  func.func @transform_7(%arg0: i32) -> i32 {
    %c0_i32 = arith.constant 0 : i32
    %c0_i32_0 = arith.constant 0 : i32
    return %c0_i32 : i32
  }
}

</mosaic_0001>

<sc_bundles>
// kernel: kernel.11.cloned.1.call-start
scs
__scs_entry_jumppad:
0x0: {  	(pc) =	sbr.rel $0x88, $3  }
0x1: {  	(tag) =	ssettag $0x0;
	lr =	simm.s32 $0x1  }
0x2: {  	[smem:$0x3F9D] =	sst lr;
	_ =	strace $0xD0000000  }
0x3: {  	_ = 	snop  }
0x4: {  	_ = 	snop  }
0x5: {  	_ = 	snop  }
0x6: {  	_ = 	snop  }
0x7: {  	_ = 	snop  }
__scs_overlays_trampoline_lowered:
0x8: {  	[smem:$0x3FAC] =	sst s0  }
0x9: {  	[smem:$0x3FAD] =	sst s1  }
0xa: {  	[smem:$0x3FAE] =	sst s2  }
0xb: {  	[smem:$0x3FAF] =	sst s3  }
0xc: {  	[smem:$0x3FB0] =	sst s4  }
0xd: {  	[smem:$0x3FB1] =	sst s5  }
0xe: {  	[smem:$0x3FB2] =	sst s6  }
0xf: {  	[smem:$0x3FB3] =	sst s7  }
0x10: {  	[smem:$0x3FB4] =	sst s8  }
0x11: {  	[smem:$0x3FB5] =	sst s9;
	s0 =	simm.s32 @!p0 $0x0  }
0x12: {  	s1 =	sld [smem:$0x3F9B];
	s0 =	simm.s32 @p0 $0x1  }
0x13: {  	[smem:$0x3FB6] =	sst s0;
	s0 =	simm.s32 @!p1 $0x0  }
0x14: {  	s2 =	sld [smem:$0x3F9A];
	s0 =	simm.s32 @p1 $0x1  }
0x15: {  	[smem:$0x3FB7] =	sst s0;
	s0 =	simm.s32 @!p2 $0x0  }
0x16: {  	s3 =	sld [smem:$0x3FDB];
	s0 =	simm.s32 @p2 $0x1  }
0x17: {  	s4 =	simm.s32 $0x1BF5;
	[smem:$0x3FB9] =	sst s0  }
0x18: {  	s0 =	sld [smem:$0x3F9C];
	_ =	swait.ge [sflag:s4], $0x0  }
0x19: {  	s7 =	sld [smem:$0x3F9D]  }
0x1a: {  	s8 =	sadd.s32 $0xFFFFE003, lr  }
0x1b: {  	s9 =	sadd.s32 $0xFFFFFEF7, lr;
	s5 =	simm.s32 $0xFFFFFFFF;
	p2 =	slt.u32 s8, $0xFFFFF086  }
0x1c: {  	p1 =	slt.u32 s9, $0xF7A;
	s5 =	simm.s32 @!p2 $0x0  }
0x1d: {  	s5 =	simm.s32 @p1 $0x1;
	p0 =	seq.s32 s7, s2  }
0x1e: {  	s7 =	smul.u32 @!p0 $0xF7A, s2;
	p2 =	seq.s32 @!p0 s5, $0x0  }
0x1f: {  	s9 =	smul.u32 $0xF7A, s1;
	s8 =	simm.s32 @!p0 $0x1BF5;
	p2 =	por !p2, p0  }
0x20: {  	[sflag:s8] =	ssyncset.s32 @!p0 $0xFFFFF086;
	s6 =	sadd.s32 @!p0 s3, s7;
	s7 =	simm.s32 @!p0 $0x108  }
0x21: {  	s3 =	sadd.s32 s3, s9;
	s6 =	sadd.s32 @!p0 $0x88, s6;
	s7 =	simm.s32 @p2 $0x1082  }
0x22: {  	[simem:s7], [sflag:s8] =	dma.local @!p0 [hbm:s6], $0xF7A  }
0x23: {  	s9 =	sor.u32 $0xD0000000, s2;
	s6 =	simm.s32 $0x108;
	_ =	swait.ge @!p0 [sflag:s8], $0x0  }
0x24: {  	s3 =	sadd.s32 $0x88, s3;
	s6 =	simm.s32 @!p1 $0x1082;
	[sflag:s4] =	ssyncset.s32 $0xFFFFF086  }
0x25: {  	[simem:s6], [sflag:s4] =	dma.local [hbm:s3], $0xF7A  }
0x26: {  	[smem:$0x3F9D] =	sst s1;
	(tag) =	ssettag s2;
	_ =	strace s9  }
0x27: {  	s1 =	sld [smem:$0x3FAD]  }
0x28: {  	s2 =	sld [smem:$0x3FAE]  }
0x29: {  	s4 =	sld [smem:$0x3FB0]  }
0x2a: {  	p0 =	seq.s32 s5, $0x0;
	s5 =	sld [smem:$0x3FB1]  }
0x2b: {  	s6 =	sld [smem:$0x3FB2]  }
0x2c: {  	s7 =	sld [smem:$0x3FB3]  }
0x2d: {  	s3 =	simm.s32 $0x108;
	s8 =	sld [smem:$0x3FB4]  }
0x2e: {  	s3 =	simm.s32 @!p0 $0x1082;
	s9 =	sld [smem:$0x3FB5]  }
0x2f: {  	lr =	sadd.s32 s0, s3;
	s0 =	sld [smem:$0x3FAC]  }
0x30: {  	s3 =	sld [smem:$0x3FAF]  }
0x31: {  	[smem:$0x3FB8] =	sst s10  }
0x32: {  	s10 =	sld [smem:$0x3FB6];
	_ =	sdelay $0x3  }
0x33: {  	p0 =	seq.s32 s10, $0x1;
	s10 =	sld [smem:$0x3FB8];
	_ =	sdelay $0x3  }
0x34: {  	[smem:$0x3FB8] =	sst s10  }
0x35: {  	s10 =	sld [smem:$0x3FB7];
	_ =	sdelay $0x3  }
0x36: {  	p1 =	seq.s32 s10, $0x1;
	s10 =	sld [smem:$0x3FB8];
	_ =	sdelay $0x3  }
0x37: {  	[smem:$0x3FB8] =	sst s10  }
0x38: {  	s10 =	sld [smem:$0x3FB9]  }
0x39: {  	_ = 	snop;
	(pc) =	sbr.ind lr, $3  }
0x3a: {  	_ = 	snop  }
0x3b: {  	_ = 	snop  }
0x3c: {  	p2 =	seq.s32 s10, $0x1;
	s10 =	sld [smem:$0x3FB8]  }
0x3d: {  	_ =	shalt  }
0x3e: {  	_ =	shalt  }
0x3f: {  	_ =	shalt  }
0x40: {  	_ =	shalt  }
0x41: {  	_ =	shalt  }
0x42: {  	_ =	shalt  }
0x43: {  	_ =	shalt  }
0x44: {  	_ =	shalt  }
0x45: {  	_ =	shalt  }
0x46: {  	_ =	shalt  }
0x47: {  	_ =	shalt  }
0x48: {  	_ =	shalt  }
0x49: {  	_ =	shalt  }
0x4a: {  	_ =	shalt  }
0x4b: {  	_ =	shalt  }
0x4c: {  	_ =	shalt  }
0x4d: {  	_ =	shalt  }
0x4e: {  	_ =	shalt  }
0x4f: {  	_ =	shalt  }
0x50: {  	_ =	shalt  }
0x51: {  	_ =	shalt  }
0x52: {  	_ =	shalt  }
0x53: {  	_ =	shalt  }
0x54: {  	_ =	shalt  }
0x55: {  	_ =	shalt  }
0x56: {  	_ =	shalt  }
0x57: {  	_ =	shalt  }
0x58: {  	_ =	shalt  }
0x59: {  	_ =	shalt  }
0x5a: {  	_ =	shalt  }
0x5b: {  	_ =	shalt  }
0x5c: {  	_ =	shalt  }
0x5d: {  	_ =	shalt  }
0x5e: {  	_ =	shalt  }
0x5f: {  	_ =	shalt  }
0x60: {  	_ =	shalt  }
0x61: {  	_ =	shalt  }
0x62: {  	_ =	shalt  }
0x63: {  	_ =	shalt  }
0x64: {  	_ =	shalt  }
0x65: {  	_ =	shalt  }
0x66: {  	_ =	shalt  }
0x67: {  	_ =	shalt  }
0x68: {  	_ =	shalt  }
0x69: {  	_ =	shalt  }
0x6a: {  	_ =	shalt  }
0x6b: {  	_ =	shalt  }
0x6c: {  	_ =	shalt  }
0x6d: {  	_ =	shalt  }
0x6e: {  	_ =	shalt  }
0x6f: {  	_ =	shalt  }
0x70: {  	_ =	shalt  }
0x71: {  	_ =	shalt  }
0x72: {  	_ =	shalt  }
0x73: {  	_ =	shalt  }
0x74: {  	_ =	shalt  }
0x75: {  	_ =	shalt  }
0x76: {  	_ =	shalt  }
0x77: {  	_ =	shalt  }
0x78: {  	_ =	shalt  }
0x79: {  	_ =	shalt  }
0x7a: {  	_ =	shalt  }
0x7b: {  	_ =	shalt  }
0x7c: {  	_ =	shalt  }
0x7d: {  	_ =	shalt  }
0x7e: {  	_ =	shalt  }
0x7f: {  	_ =	shalt  }
0x80: {  	_ =	shalt  }
0x81: {  	_ =	shalt  }
0x82: {  	_ =	shalt  }
0x83: {  	_ =	shalt  }
0x84: {  	_ =	shalt  }
0x85: {  	_ =	shalt  }
0x86: {  	_ =	shalt  }
0x87: {  	_ =	shalt  }
.Lfunc_end0:
.L_simem_size_0:
called_computation.1_lowered:
.L_overlay_start_0:
0x88: {  	s2 =	sld [smem:$0x3FD9]  }
0x89: {  	s3 =	sld [smem:$0x3FFE];
	_ =	sdelay $0x1  }
0x8a: {  	s1 =	srdreg.scid  }
0x8b: {  	s0 =	sand.u32 $0x1, s1  }
0x8c: {  	s17 =	sshll.u32 s0, $0xA;
	s2 =	sadd.s32 s3, s2  }
0x8d: {  	s2 =	sadd.s32 s2, s17  }
0x8e: {  	[smem:$0x3FC4] =	sst s2  }
0x8f: {  	_ = 	snop  }
0x90: {  	(tm) =	ssettm $0x1  }
0x91: {  	s18 =	sld [smem:$0x3FFB];
	_ =	sdelay $0x3  }
0x92: {  	_ =	strace s18  }
0x93: {  	s2 =	sld [smem:$0x3FFC];
	_ =	sdelay $0x3  }
0x94: {  	_ =	strace s2  }
0x95: {  	s2 =	sld [smem:$0x3FFD];
	_ =	sdelay $0x3  }
0x96: {  	_ =	strace s2  }
0x97: {  	_ =	strace $0x8FFFFFFF  }
0x98: {  	s19 =	sld [smem:$0x3FDB];
	_ =	sdelay $0x1  }
0x99: {  	s20 =	simm.s32 $_scs_section_size  }
0x9a: {  	s4 =	simm.s32 $_size__tile_overlayer_lowered;
	s5 =	simm.s32 $_tile_overlayer_lowered  }
0x9b: {  	s6 =	simm.s32 $0x1BFF;
	s21 =	sshll.u32 s5, $0x1;
	s3 =	sadd.s32 s20, s19  }
0x9c: {  	s22 =	simm.s32 $0x0;
	s4 =	sshll.u32 s4, $0x1;
	s5 =	sadd.s32 s21, s3  }
0x9d: {  	[timem:s22], [sflag:s6] =	dma.local [hbm:s5], s4  }
0x9e: {  	_ =	swait.ge [sflag:s6], s4  }
0x9f: {  	s4 =	ssub.s32 $0x0, s4;
	[sflag:s6] =	ssyncset.done $0x0  }
0xa0: {  	[sflag:s6] =	ssyncadd.s32 s4;
	_ =	sdelay $0x1  }
0xa1: {  	s23 =	simm.s32 $0x1B8B  }
0xa2: {  	_ =	swait.ge [sflag:s23], $0x1  }
0xa3: {  	[sflag:s23] =	ssyncset.done $0x0  }
0xa4: {  	[sflag:s23] =	ssyncadd.s32 $0xFFFFFFFF  }
0xa5: {  	s4 =	sld [smem:$0x0]  }
0xa6: {  	s5 =	sand.u32 $0xFFFFFFFE, s1  }
0xa7: {  	p0 =	sne.s32 s1, s5  }
0xa8: {  	s5 =	sshll.u32 @p0 s5, $0xE  }
0xa9: {  	s5 =	sadd.s32 @p0 $0x11B8D, s5;
	s6 =	sshll.u32 @p0 s4, $0x11  }
0xaa: {  	s5 =	sor.u32 @p0 s6, s5  }
0xab: {  	[sflag:s5] =	ssyncadd.remote.s32 @p0 $0x1;
	_ =	sdelay $0x1  }
0xac: {  	s5 =	simm.s32 @p0 $0x1B8D  }
0xad: {  	_ =	swait.eq @p0 [sflag:s5], $0x1  }
0xae: {  	[sflag:s5] =	ssyncadd.s32 @p0 $0xFFFFFFFF  }
0xaf: {  	s6 =	sshll.u32 @!p0 s1, $0xE  }
0xb0: {  	s6 =	sor.u32 @!p0 $0x4000, s6;
	s5 =	simm.s32 @!p0 $0x1B8D  }
0xb1: {  	s4 =	sshll.u32 @!p0 s4, $0x11;
	s6 =	sadd.s32 @!p0 $0x11B8D, s6;
	_ =	swait.eq @!p0 [sflag:s5], $0x1  }
0xb2: {  	s4 =	sor.u32 @!p0 s4, s6;
	[sflag:s5] =	ssyncadd.s32 @!p0 $0xFFFFFFFF  }
0xb3: {  	s25 =	simm.s32 $0x1B8E;
	s24 =	sld [smem:$0x3FFE];
	[sflag:s4] =	ssyncadd.remote.s32 @!p0 $0x1  }
0xb4: {  	s26 =	simm.s32 $execute0_lowered;
	[smem:$0x3FD2] =	sst s25  }
0xb5: {  	s5 =	sshll.u32 s26, $0x1;
	_ =	strace $0x80000049;
	[dreg:$0x1] =	wrdreg $0xFFFFFFFF  }
0xb6: {  	s28 =	simm.s32 $_size_execute0_lowered;
	s3 =	sadd.s32 s3, s5;
	[dreg:$0x0] =	wrdreg $0x0  }
0xb7: {  	s5 =	sshll.u32 s28, $0x1;
	[dreg:$0x2] =	wrdreg s3  }
0xb8: {  	[dreg:$0x3] =	wrdreg s5  }
0xb9: {  	[dreg:$0x4] =	wrdreg $0xC0  }
0xba: {  	_ =	task [dreg:s22], $0x5FFFF  }
0xbb: {  	[dreg:$0x1] =	wrdreg $0xFFFFFFFF  }
0xbc: {  	[dreg:$0x0] =	wrdreg $0x60  }
0xbd: {  	[dreg:$0x2] =	wrdreg s24  }
0xbe: {  	[dreg:$0x3] =	wrdreg $0xA  }
0xbf: {  	_ =	task.clear_ibuf [dreg:s22], $0x4FFFF;
	_ =	strace $0x90000049  }
0xc0: {  	s29 =	simm.s32 $0xA;
	_ =	strace $0x8000004B  }
0xc1: {  	_ =	swait.ge [sflag:s29], $0x1  }
0xc2: {  	[sflag:s29] =	ssyncadd.s32 $0xFFFFFFFF  }
0xc3: {  	_ =	strace $0x9000004B  }
0xc4: {  	_ =	sfence  }
0xc5: {  	s30 =	sld [smem:$0x0];
	_ =	sdelay $0x2  }
0xc6: {  	s31 =	sshll.u32 s1, $0xD;
	s1 =	sshrl.u32 s1, $0x2  }
0xc7: {  	s4 =	sand.u32 $0x4000, s31;
	s1 =	sadd.s32 s1, s30  }
0xc8: {  	s0 =	sor.u32 s4, s0;
	s1 =	sshll.u32 s1, $0x11  }
0xc9: {  	s0 =	sor.u32 s1, s0  }
0xca: {  	s0 =	sadd.s32 $0x8F2B, s0  }
0xcb: {  	[sflag:s0] =	ssyncadd.remote.s32 $0x1  }
0xcc: {  	_ =	sfence.sel $0xFFFF  }
0xcd: {  	[dreg:$0x0] =	wrdreg $0xFFFFFFFF;
	(pc) =	sbr.abs _section_cstart, $3  }
0xce: {  	[dreg:$0x1] =	wrdreg $0xFFFFFFFF  }
0xcf: {  	_ =	task.clear_ibuf [dreg:s22], $0x2FFFF;
	_ =	strace $0x9FFFFFFF  }
0xd0: {  	(tm) =	ssettm $0x7FFFFFFF  }
0xd1: {  	_ =	shalt  }
tec
execute0_lowered:
.L_overlay_start_1:
0x0: {  	(tag) =	ssettag $0x1  }
0x1: {  	s1 =	srdreg.scid  }
0x2: {  	s0 =	stileid.u32;
	s23 =	sand.u32 $0x1, s1  }
0x3: {  	s30 =	sshll.u32 s0, $0x9;
	s2 =	sshll.u32 s23, $0x8  }
0x4: {  	s13 =	sor.u32 s2, s30  }
0x5: {  	s21 =	rddreg [dreg:$0x0];
	s2 =	simm.s32 $0x0;
	s3 =	sshrl.u32 s13, $0x3  }
0x6: {  	s4 =	simm.s32 $0x4;
	[smem:$0x7FF] =	sst s2;
	s7 =	sadd.s32 s3, s21  }
0x7: {  	s1 =	rddreg [dreg:$0x1];
	_ =	strace $0x8000004A;
	s3 =	sadd.s32 $0x416400, s7  }
0x8: {  	[tilespmem:s2], [sflag:$0x4] =	stream.linear.gather [hbm4b:s3+s2], $0x100, $0x38;
	[tilespmem:$0x8300] =	vst v63  }
0x9: {  	_ =	swait.ge [sflag:s4], $0x100  }
0xa: {  	[sflag:s4] =	ssyncset.done $0x0  }
0xb: {  	s6 =	simm.s32 $0x100;
	s5 =	sadd.s32 $0x417000, s7;
	[sflag:s4] =	ssyncadd.s32 $0xFFFFFF00  }
0xc: {  	[tilespmem:s6], [sflag:$0x4] =	stream.linear.gather [hbm4b:s5+s2], $0x100, $0x38;
	[tilespmem:$0x8300] =	vst v63  }
0xd: {  	_ =	swait.ge [sflag:s4], $0x100  }
0xe: {  	[sflag:s4] =	ssyncset.done $0x0  }
0xf: {  	s8 =	simm.s32 $0x200;
	s7 =	sadd.s32 $0x416C00, s7;
	[sflag:s4] =	ssyncadd.s32 $0xFFFFFF00  }
0x10: {  	[tilespmem:s8], [sflag:$0x4] =	stream.linear.gather [hbm4b:s7+s2], $0x100, $0x38;
	[tilespmem:$0x8300] =	vst v63  }
0x11: {  	_ =	swait.ge [sflag:s4], $0x100  }
0x12: {  	s10 =	simm.s32 $0x80;
	s11 =	simm.s32 $0x300;
	[sflag:s4] =	ssyncset.done $0x0  }
0x13: {  	s12 =	simm.s32 $0x1;
	s9 =	sadd.s32 $0x45A00, s21;
	[sflag:s4] =	ssyncadd.s32 $0xFFFFFF00  }
0x14: {  	[tilespmem:s11], [sflag:$0x1] =	stream.indirect.gather [hbm4b:s9+s10], $0x80, s2, s10, $0xb8;
	[tilespmem:$0x8300] =	vst v63  }
0x15: {  	_ =	swait.ge [sflag:s12], $0x4000  }
0x16: {  	s16 =	sadd.s32 $0x417C00, s21;
	[sflag:s12] =	ssyncset.done $0x0  }
0x17: {  	s22 =	sshll.u32 s13, $0x4;
	s13 =	simm.s32 $0x4300;
	[sflag:s12] =	ssyncadd.s32 $0xFFFFC000  }
0x18: {  	[tilespmem:s13], [sflag:$0x1] =	stream.indirect.gather [hbm4b:s9+s10], $0x80, s10, s10, $0xb8;
	[tilespmem:$0x8300] =	vst v63  }
0x19: {  	s14 =	sadd.s32 s16, s22  }
0x1a: {  	[hbm4b:s14+s2] =	stream.linear.scatter [tilespmem:s11], [sflag:$0x2], $0x4000, $0x38;
	[tilespmem:$0x8300] =	vst v63  }
0x1b: {  	_ =	swait.ge [sflag:s12], $0x4000  }
0x1c: {  	[sflag:s12] =	ssyncset.done $0x0  }
0x1d: {  	s15 =	simm.s32 $0x2;
	[sflag:s12] =	ssyncadd.s32 $0xFFFFC000  }
0x1e: {  	_ =	swait.ge [sflag:s15], $0x4000  }
0x1f: {  	[sflag:s15] =	ssyncset.done $0x0  }
0x20: {  	s24 =	sor.u32 $0x800, s22;
	[sflag:s15] =	ssyncadd.s32 $0xFFFFC000  }
0x21: {  	[tilespmem:s11], [sflag:$0x1] =	stream.indirect.gather [hbm4b:s9+s10], $0x80, s6, s10, $0xb8;
	[tilespmem:$0x8300] =	vst v63  }
0x22: {  	s16 =	sadd.s32 s16, s24  }
0x23: {  	[hbm4b:s16+s2] =	stream.linear.scatter [tilespmem:s13], [sflag:$0x3], $0x4000, $0x38;
	[tilespmem:$0x8300] =	vst v63  }
0x24: {  	_ =	swait.ge [sflag:s12], $0x4000  }
0x25: {  	[sflag:s12] =	ssyncset.done $0x0  }
0x26: {  	s17 =	simm.s32 $0x3;
	[sflag:s12] =	ssyncadd.s32 $0xFFFFC000  }
0x27: {  	_ =	swait.ge [sflag:s17], $0x4000  }
0x28: {  	[sflag:s17] =	ssyncset.done $0x0  }
0x29: {  	s18 =	simm.s32 $0x180;
	s20 =	sadd.s32 $0x437C00, s21;
	[sflag:s17] =	ssyncadd.s32 $0xFFFFC000  }
0x2a: {  	[tilespmem:s13], [sflag:$0x1] =	stream.indirect.gather [hbm4b:s9+s10], $0x80, s18, s10, $0xb8;
	[tilespmem:$0x8300] =	vst v63  }
0x2b: {  	s19 =	sadd.s32 s20, s22  }
0x2c: {  	[hbm4b:s19+s2] =	stream.linear.scatter [tilespmem:s11], [sflag:$0x2], $0x4000, $0x38;
	[tilespmem:$0x8300] =	vst v63  }
0x2d: {  	_ =	swait.ge [sflag:s12], $0x4000  }
0x2e: {  	[sflag:s12] =	ssyncset.done $0x0  }
0x2f: {  	[sflag:s12] =	ssyncadd.s32 $0xFFFFC000  }
0x30: {  	_ =	swait.ge [sflag:s15], $0x4000  }
0x31: {  	[sflag:s15] =	ssyncset.done $0x0  }
0x32: {  	[sflag:s15] =	ssyncadd.s32 $0xFFFFC000  }
0x33: {  	[tilespmem:s11], [sflag:$0x1] =	stream.indirect.gather [hbm4b:s9+s10], $0x80, s8, s10, $0xb8;
	[tilespmem:$0x8300] =	vst v63  }
0x34: {  	s20 =	sadd.s32 s20, s24  }
0x35: {  	[hbm4b:s20+s2] =	stream.linear.scatter [tilespmem:s13], [sflag:$0x3], $0x4000, $0x38;
	[tilespmem:$0x8300] =	vst v63  }
0x36: {  	_ =	swait.ge [sflag:s12], $0x4000  }
0x37: {  	[sflag:s12] =	ssyncset.done $0x0  }
0x38: {  	[sflag:s12] =	ssyncadd.s32 $0xFFFFC000  }
0x39: {  	_ =	swait.ge [sflag:s17], $0x4000  }
0x3a: {  	s25 =	sadd.s32 $0x457C00, s21;
	[sflag:s17] =	ssyncset.done $0x0  }
0x3b: {  	s26 =	ssub.s32 $0x2, s23;
	s21 =	simm.s32 $0x280;
	[sflag:s17] =	ssyncadd.s32 $0xFFFFC000  }
0x3c: {  	[tilespmem:s13], [sflag:$0x1] =	stream.indirect.gather [hbm4b:s9+s10], $0x80, s21, s10, $0xb8;
	[tilespmem:$0x8300] =	vst v63  }
0x3d: {  	s31 =	sshrl.u32 s26, $0x1;
	s22 =	sadd.s32 s25, s22  }
0x3e: {  	[hbm4b:s22+s2] =	stream.linear.scatter [tilespmem:s11], [sflag:$0x2], $0x4000, $0x38;
	[tilespmem:$0x8300] =	vst v63  }
0x3f: {  	s23 =	sadd.s32 s25, s24;
	s24 =	ssub.s32 s26, s31;
	_ =	swait.ge [sflag:s12], $0x4000  }
0x40: {  	s24 =	smax.u32 s24, $0x1;
	[sflag:s12] =	ssyncset.done $0x0  }
0x41: {  	p0 =	sne.s32 s24, $0x1;
	[sflag:s12] =	ssyncadd.s32 $0xFFFFC000  }
0x42: {  	[hbm4b:s23+s2] =	stream.linear.scatter [tilespmem:s13], [sflag:$0x3], $0x4000, $0x38;
	[tilespmem:$0x8300] =	vst v63  }
.Ltmp0:
0x43: {  	_ =	swait.ge [sflag:s15], $0x4000;
	(pc) =	sbr.rel @!p0 .LBB2_2-.Ltmp0, $4  }
0x44: {  	[sflag:s15] =	ssyncset.done $0x0  }
0x45: {  	[sflag:s15] =	ssyncadd.s32 $0xFFFFC000  }
0x46: {  	_ =	swait.ge [sflag:s17], $0x4000  }
0x47: {  	s24 =	sadd.s32 $0xFFFFFFFF, s24;
	[sflag:s17] =	ssyncset.done $0x0  }
.LBB2_1:
0x48: {  	p0 =	sne.s32 s24, $0x1;
	s24 =	sadd.s32 $0xFFFFFFFF, s24;
	[sflag:s17] =	ssyncadd.s32 $0xFFFFC000  }
0x49: {  	[tilespmem:s2], [sflag:$0x4] =	stream.linear.gather [hbm4b:s3+s2], $0x100, $0x38;
	[tilespmem:$0x8300] =	vst v63  }
0x4a: {  	_ =	swait.ge [sflag:s4], $0x100  }
0x4b: {  	[sflag:s4] =	ssyncset.done $0x0  }
0x4c: {  	[sflag:s4] =	ssyncadd.s32 $0xFFFFFF00  }
0x4d: {  	[tilespmem:s6], [sflag:$0x4] =	stream.linear.gather [hbm4b:s5+s2], $0x100, $0x38;
	[tilespmem:$0x8300] =	vst v63  }
0x4e: {  	_ =	swait.ge [sflag:s4], $0x100  }
0x4f: {  	[sflag:s4] =	ssyncset.done $0x0  }
0x50: {  	[sflag:s4] =	ssyncadd.s32 $0xFFFFFF00  }
0x51: {  	[tilespmem:s8], [sflag:$0x4] =	stream.linear.gather [hbm4b:s7+s2], $0x100, $0x38;
	[tilespmem:$0x8300] =	vst v63  }
0x52: {  	_ =	swait.ge [sflag:s4], $0x100  }
0x53: {  	[sflag:s4] =	ssyncset.done $0x0  }
0x54: {  	[sflag:s4] =	ssyncadd.s32 $0xFFFFFF00  }
0x55: {  	[tilespmem:s11], [sflag:$0x1] =	stream.indirect.gather [hbm4b:s9+s10], $0x80, s2, s10, $0xb8;
	[tilespmem:$0x8300] =	vst v63  }
0x56: {  	_ =	swait.ge [sflag:s12], $0x4000  }
0x57: {  	[sflag:s12] =	ssyncset.done $0x0  }
0x58: {  	[sflag:s12] =	ssyncadd.s32 $0xFFFFC000  }
0x59: {  	[tilespmem:s13], [sflag:$0x1] =	stream.indirect.gather [hbm4b:s9+s10], $0x80, s10, s10, $0xb8;
	[tilespmem:$0x8300] =	vst v63  }
0x5a: {  	_ = 	snop  }
0x5b: {  	[hbm4b:s14+s2] =	stream.linear.scatter [tilespmem:s11], [sflag:$0x2], $0x4000, $0x38;
	[tilespmem:$0x8300] =	vst v63  }
0x5c: {  	_ =	swait.ge [sflag:s12], $0x4000  }
0x5d: {  	[sflag:s12] =	ssyncset.done $0x0  }
0x5e: {  	[sflag:s12] =	ssyncadd.s32 $0xFFFFC000  }
0x5f: {  	_ =	swait.ge [sflag:s15], $0x4000  }
0x60: {  	[sflag:s15] =	ssyncset.done $0x0  }
0x61: {  	[sflag:s15] =	ssyncadd.s32 $0xFFFFC000  }
0x62: {  	[tilespmem:s11], [sflag:$0x1] =	stream.indirect.gather [hbm4b:s9+s10], $0x80, s6, s10, $0xb8;
	[tilespmem:$0x8300] =	vst v63  }
0x63: {  	_ = 	snop  }
0x64: {  	[hbm4b:s16+s2] =	stream.linear.scatter [tilespmem:s13], [sflag:$0x3], $0x4000, $0x38;
	[tilespmem:$0x8300] =	vst v63  }
0x65: {  	_ =	swait.ge [sflag:s12], $0x4000  }
0x66: {  	[sflag:s12] =	ssyncset.done $0x0  }
0x67: {  	[sflag:s12] =	ssyncadd.s32 $0xFFFFC000  }
0x68: {  	_ =	swait.ge [sflag:s17], $0x4000  }
0x69: {  	[sflag:s17] =	ssyncset.done $0x0  }
0x6a: {  	[sflag:s17] =	ssyncadd.s32 $0xFFFFC000  }
0x6b: {  	[tilespmem:s13], [sflag:$0x1] =	stream.indirect.gather [hbm4b:s9+s10], $0x80, s18, s10, $0xb8;
	[tilespmem:$0x8300] =	vst v63  }
0x6c: {  	_ = 	snop  }
0x6d: {  	[hbm4b:s19+s2] =	stream.linear.scatter [tilespmem:s11], [sflag:$0x2], $0x4000, $0x38;
	[tilespmem:$0x8300] =	vst v63  }
0x6e: {  	_ =	swait.ge [sflag:s12], $0x4000  }
0x6f: {  	[sflag:s12] =	ssyncset.done $0x0  }
0x70: {  	[sflag:s12] =	ssyncadd.s32 $0xFFFFC000  }
0x71: {  	_ =	swait.ge [sflag:s15], $0x4000  }
0x72: {  	[sflag:s15] =	ssyncset.done $0x0  }
0x73: {  	[sflag:s15] =	ssyncadd.s32 $0xFFFFC000  }
0x74: {  	[tilespmem:s11], [sflag:$0x1] =	stream.indirect.gather [hbm4b:s9+s10], $0x80, s8, s10, $0xb8;
	[tilespmem:$0x8300] =	vst v63  }
0x75: {  	_ = 	snop  }
0x76: {  	[hbm4b:s20+s2] =	stream.linear.scatter [tilespmem:s13], [sflag:$0x3], $0x4000, $0x38;
	[tilespmem:$0x8300] =	vst v63  }
0x77: {  	_ =	swait.ge [sflag:s12], $0x4000  }
0x78: {  	[sflag:s12] =	ssyncset.done $0x0  }
0x79: {  	[sflag:s12] =	ssyncadd.s32 $0xFFFFC000  }
0x7a: {  	_ =	swait.ge [sflag:s17], $0x4000  }
0x7b: {  	[sflag:s17] =	ssyncset.done $0x0  }
0x7c: {  	[sflag:s17] =	ssyncadd.s32 $0xFFFFC000  }
0x7d: {  	[tilespmem:s13], [sflag:$0x1] =	stream.indirect.gather [hbm4b:s9+s10], $0x80, s21, s10, $0xb8;
	[tilespmem:$0x8300] =	vst v63  }
0x7e: {  	_ = 	snop  }
0x7f: {  	[hbm4b:s22+s2] =	stream.linear.scatter [tilespmem:s11], [sflag:$0x2], $0x4000, $0x38;
	[tilespmem:$0x8300] =	vst v63  }
0x80: {  	_ =	swait.ge [sflag:s12], $0x4000  }
0x81: {  	[sflag:s12] =	ssyncset.done $0x0  }
0x82: {  	[sflag:s12] =	ssyncadd.s32 $0xFFFFC000  }
0x83: {  	[hbm4b:s23+s2] =	stream.linear.scatter [tilespmem:s13], [sflag:$0x3], $0x4000, $0x38;
	[tilespmem:$0x8300] =	vst v63  }
.Ltmp1:
0x84: {  	_ =	swait.ge [sflag:s15], $0x4000;
	(pc) =	sbr.rel @p0 .LBB2_1-.Ltmp1, $4  }
0x85: {  	[sflag:s15] =	ssyncset.done $0x0  }
0x86: {  	[sflag:s15] =	ssyncadd.s32 $0xFFFFC000  }
0x87: {  	_ =	swait.ge [sflag:s17], $0x4000  }
0x88: {  	[sflag:s17] =	ssyncset.done $0x0  }
.LBB2_2:
0x89: {  	[sflag:s17] =	ssyncadd.s32 $0xFFFFC000  }
0x8a: {  	_ =	sfence.sel $0x180000  }
0x8b: {  	[bflag:$0x0] =	sbarrier.arrive $0xFFFF  }
0x8c: {  	p0 =	sne.s32 s0, $0x0;
	_ =	strace $0x9000004A  }
0x8d: {  	s0 =	sadd.s32 @!p0 $0x100000, s1;
	[bflag:$0x2] =	sbarrier.arrive $0xFFFF  }
0x8e: {  	[sflag:s0] =	ssyncadd.tile.s32 @!p0 $0x1;
	_ =	shalt  }
.Lfunc_end2:
_tile_overlayer_lowered:
.L_overlay_start_2:
0x8f: {  	(tag) =	ssettag $0x2  }
0x90: {  	s0 =	rddreg [dreg:$0x0];
	s2 =	stileid.u32  }
0x91: {  	s1 =	rddreg [dreg:$0x1];
	p0 =	sne.s32 s2, $0x0  }
0x92: {  	s3 =	rddreg [dreg:$0x2];
	[bflag:$0x3] =	sbarrier.arrive $0xFFFF;
	s2 =	simm.s32 @!p0 $0x1C04  }
0x93: {  	[timem:s3], [sflag:s2] =	dma.local @!p0 [hbm:s0], s1  }
0x94: {  	s0 =	simm.s32 @!p0 $0x4  }
0x95: {  	_ =	swait.ge @!p0 [sflag:s0], s1  }
0x96: {  	s1 =	ssub.s32 @!p0 $0x0, s1;
	[sflag:s0] =	ssyncset.done @!p0 $0x0  }
0x97: {  	[sflag:s0] =	ssyncadd.s32 @!p0 s1  }
0x98: {  	[bflag:$0x3] =	sbarrier.arrive $0xFFFF  }
0x99: {  	_ =	shalt  }

// kernel: kernel.14.cloned.1.call-start
scs
__scs_entry_jumppad:
0x0: {  	(pc) =	sbr.rel $0x88, $3  }
0x1: {  	(tag) =	ssettag $0x0;
	lr =	simm.s32 $0x1  }
0x2: {  	[smem:$0x3F9D] =	sst lr;
	_ =	strace $0xD0000000  }
0x3: {  	_ = 	snop  }
0x4: {  	_ = 	snop  }
0x5: {  	_ = 	snop  }
0x6: {  	_ = 	snop  }
0x7: {  	_ = 	snop  }
__scs_overlays_trampoline_lowered:
0x8: {  	[smem:$0x3FAC] =	sst s0  }
0x9: {  	[smem:$0x3FAD] =	sst s1  }
0xa: {  	[smem:$0x3FAE] =	sst s2  }
0xb: {  	[smem:$0x3FAF] =	sst s3  }
0xc: {  	[smem:$0x3FB0] =	sst s4  }
0xd: {  	[smem:$0x3FB1] =	sst s5  }
0xe: {  	[smem:$0x3FB2] =	sst s6  }
0xf: {  	[smem:$0x3FB3] =	sst s7  }
0x10: {  	[smem:$0x3FB4] =	sst s8  }
0x11: {  	[smem:$0x3FB5] =	sst s9;
	s0 =	simm.s32 @!p0 $0x0  }
0x12: {  	s1 =	sld [smem:$0x3F9B];
	s0 =	simm.s32 @p0 $0x1  }
0x13: {  	[smem:$0x3FB6] =	sst s0;
	s0 =	simm.s32 @!p1 $0x0  }
0x14: {  	s2 =	sld [smem:$0x3F9A];
	s0 =	simm.s32 @p1 $0x1  }
0x15: {  	[smem:$0x3FB7] =	sst s0;
	s0 =	simm.s32 @!p2 $0x0  }
0x16: {  	s3 =	sld [smem:$0x3FDB];
	s0 =	simm.s32 @p2 $0x1  }
0x17: {  	s4 =	simm.s32 $0x1BF5;
	[smem:$0x3FB9] =	sst s0  }
0x18: {  	s0 =	sld [smem:$0x3F9C];
	_ =	swait.ge [sflag:s4], $0x0  }
0x19: {  	s7 =	sld [smem:$0x3F9D]  }
0x1a: {  	s8 =	sadd.s32 $0xFFFFE003, lr  }
0x1b: {  	s9 =	sadd.s32 $0xFFFFFEF7, lr;
	s5 =	simm.s32 $0xFFFFFFFF;
	p2 =	slt.u32 s8, $0xFFFFF086  }
0x1c: {  	p1 =	slt.u32 s9, $0xF7A;
	s5 =	simm.s32 @!p2 $0x0  }
0x1d: {  	s5 =	simm.s32 @p1 $0x1;
	p0 =	seq.s32 s7, s2  }
0x1e: {  	s7 =	smul.u32 @!p0 $0xF7A, s2;
	p2 =	seq.s32 @!p0 s5, $0x0  }
0x1f: {  	s9 =	smul.u32 $0xF7A, s1;
	s8 =	simm.s32 @!p0 $0x1BF5;
	p2 =	por !p2, p0  }
0x20: {  	[sflag:s8] =	ssyncset.s32 @!p0 $0xFFFFF086;
	s6 =	sadd.s32 @!p0 s3, s7;
	s7 =	simm.s32 @!p0 $0x108  }
0x21: {  	s3 =	sadd.s32 s3, s9;
	s6 =	sadd.s32 @!p0 $0x88, s6;
	s7 =	simm.s32 @p2 $0x1082  }
0x22: {  	[simem:s7], [sflag:s8] =	dma.local @!p0 [hbm:s6], $0xF7A  }
0x23: {  	s9 =	sor.u32 $0xD0000000, s2;
	s6 =	simm.s32 $0x108;
	_ =	swait.ge @!p0 [sflag:s8], $0x0  }
0x24: {  	s3 =	sadd.s32 $0x88, s3;
	s6 =	simm.s32 @!p1 $0x1082;
	[sflag:s4] =	ssyncset.s32 $0xFFFFF086  }
0x25: {  	[simem:s6], [sflag:s4] =	dma.local [hbm:s3], $0xF7A  }
0x26: {  	[smem:$0x3F9D] =	sst s1;
	(tag) =	ssettag s2;
	_ =	strace s9  }
0x27: {  	s1 =	sld [smem:$0x3FAD]  }
0x28: {  	s2 =	sld [smem:$0x3FAE]  }
0x29: {  	s4 =	sld [smem:$0x3FB0]  }
0x2a: {  	p0 =	seq.s32 s5, $0x0;
	s5 =	sld [smem:$0x3FB1]  }
0x2b: {  	s6 =	sld [smem:$0x3FB2]  }
0x2c: {  	s7 =	sld [smem:$0x3FB3]  }
0x2d: {  	s3 =	simm.s32 $0x108;
	s8 =	sld [smem:$0x3FB4]  }
0x2e: {  	s3 =	simm.s32 @!p0 $0x1082;
	s9 =	sld [smem:$0x3FB5]  }
0x2f: {  	lr =	sadd.s32 s0, s3;
	s0 =	sld [smem:$0x3FAC]  }
0x30: {  	s3 =	sld [smem:$0x3FAF]  }
0x31: {  	[smem:$0x3FB8] =	sst s10  }
0x32: {  	s10 =	sld [smem:$0x3FB6];
	_ =	sdelay $0x3  }
0x33: {  	p0 =	seq.s32 s10, $0x1;
	s10 =	sld [smem:$0x3FB8];
	_ =	sdelay $0x3  }
0x34: {  	[smem:$0x3FB8] =	sst s10  }
0x35: {  	s10 =	sld [smem:$0x3FB7];
	_ =	sdelay $0x3  }
0x36: {  	p1 =	seq.s32 s10, $0x1;
	s10 =	sld [smem:$0x3FB8];
	_ =	sdelay $0x3  }
0x37: {  	[smem:$0x3FB8] =	sst s10  }
0x38: {  	s10 =	sld [smem:$0x3FB9]  }
0x39: {  	_ = 	snop;
	(pc) =	sbr.ind lr, $3  }
0x3a: {  	_ = 	snop  }
0x3b: {  	_ = 	snop  }
0x3c: {  	p2 =	seq.s32 s10, $0x1;
	s10 =	sld [smem:$0x3FB8]  }
0x3d: {  	_ =	shalt  }
0x3e: {  	_ =	shalt  }
0x3f: {  	_ =	shalt  }
0x40: {  	_ =	shalt  }
0x41: {  	_ =	shalt  }
0x42: {  	_ =	shalt  }
0x43: {  	_ =	shalt  }
0x44: {  	_ =	shalt  }
0x45: {  	_ =	shalt  }
0x46: {  	_ =	shalt  }
0x47: {  	_ =	shalt  }
0x48: {  	_ =	shalt  }
0x49: {  	_ =	shalt  }
0x4a: {  	_ =	shalt  }
0x4b: {  	_ =	shalt  }
0x4c: {  	_ =	shalt  }
0x4d: {  	_ =	shalt  }
0x4e: {  	_ =	shalt  }
0x4f: {  	_ =	shalt  }
0x50: {  	_ =	shalt  }
0x51: {  	_ =	shalt  }
0x52: {  	_ =	shalt  }
0x53: {  	_ =	shalt  }
0x54: {  	_ =	shalt  }
0x55: {  	_ =	shalt  }
0x56: {  	_ =	shalt  }
0x57: {  	_ =	shalt  }
0x58: {  	_ =	shalt  }
0x59: {  	_ =	shalt  }
0x5a: {  	_ =	shalt  }
0x5b: {  	_ =	shalt  }
0x5c: {  	_ =	shalt  }
0x5d: {  	_ =	shalt  }
0x5e: {  	_ =	shalt  }
0x5f: {  	_ =	shalt  }
0x60: {  	_ =	shalt  }
0x61: {  	_ =	shalt  }
0x62: {  	_ =	shalt  }
0x63: {  	_ =	shalt  }
0x64: {  	_ =	shalt  }
0x65: {  	_ =	shalt  }
0x66: {  	_ =	shalt  }
0x67: {  	_ =	shalt  }
0x68: {  	_ =	shalt  }
0x69: {  	_ =	shalt  }
0x6a: {  	_ =	shalt  }
0x6b: {  	_ =	shalt  }
0x6c: {  	_ =	shalt  }
0x6d: {  	_ =	shalt  }
0x6e: {  	_ =	shalt  }
0x6f: {  	_ =	shalt  }
0x70: {  	_ =	shalt  }
0x71: {  	_ =	shalt  }
0x72: {  	_ =	shalt  }
0x73: {  	_ =	shalt  }
0x74: {  	_ =	shalt  }
0x75: {  	_ =	shalt  }
0x76: {  	_ =	shalt  }
0x77: {  	_ =	shalt  }
0x78: {  	_ =	shalt  }
0x79: {  	_ =	shalt  }
0x7a: {  	_ =	shalt  }
0x7b: {  	_ =	shalt  }
0x7c: {  	_ =	shalt  }
0x7d: {  	_ =	shalt  }
0x7e: {  	_ =	shalt  }
0x7f: {  	_ =	shalt  }
0x80: {  	_ =	shalt  }
0x81: {  	_ =	shalt  }
0x82: {  	_ =	shalt  }
0x83: {  	_ =	shalt  }
0x84: {  	_ =	shalt  }
0x85: {  	_ =	shalt  }
0x86: {  	_ =	shalt  }
0x87: {  	_ =	shalt  }
.Lfunc_end0:
.L_simem_size_0:
called_computation.2_lowered:
.L_overlay_start_0:
0x88: {  	s2 =	sld [smem:$0x3FD9]  }
0x89: {  	s3 =	sld [smem:$0x3FFE];
	_ =	sdelay $0x1  }
0x8a: {  	s1 =	srdreg.scid  }
0x8b: {  	s0 =	sand.u32 $0x1, s1  }
0x8c: {  	s17 =	sshll.u32 s0, $0xA;
	s2 =	sadd.s32 s3, s2  }
0x8d: {  	s2 =	sadd.s32 s2, s17  }
0x8e: {  	[smem:$0x3FC4] =	sst s2  }
0x8f: {  	_ = 	snop  }
0x90: {  	(tm) =	ssettm $0x1  }
0x91: {  	s18 =	sld [smem:$0x3FFB];
	_ =	sdelay $0x3  }
0x92: {  	_ =	strace s18  }
0x93: {  	s2 =	sld [smem:$0x3FFC];
	_ =	sdelay $0x3  }
0x94: {  	_ =	strace s2  }
0x95: {  	s2 =	sld [smem:$0x3FFD];
	_ =	sdelay $0x3  }
0x96: {  	_ =	strace s2  }
0x97: {  	_ =	strace $0x8FFFFFFF  }
0x98: {  	s19 =	sld [smem:$0x3FDB];
	_ =	sdelay $0x1  }
0x99: {  	s20 =	simm.s32 $_scs_section_size  }
0x9a: {  	s4 =	simm.s32 $_size__tile_overlayer_lowered;
	s5 =	simm.s32 $_tile_overlayer_lowered  }
0x9b: {  	s6 =	simm.s32 $0x1BFF;
	s21 =	sshll.u32 s5, $0x1;
	s3 =	sadd.s32 s20, s19  }
0x9c: {  	s22 =	simm.s32 $0x0;
	s4 =	sshll.u32 s4, $0x1;
	s5 =	sadd.s32 s21, s3  }
0x9d: {  	[timem:s22], [sflag:s6] =	dma.local [hbm:s5], s4  }
0x9e: {  	_ =	swait.ge [sflag:s6], s4  }
0x9f: {  	s4 =	ssub.s32 $0x0, s4;
	[sflag:s6] =	ssyncset.done $0x0  }
0xa0: {  	[sflag:s6] =	ssyncadd.s32 s4;
	_ =	sdelay $0x1  }
0xa1: {  	s23 =	simm.s32 $0x1B8B  }
0xa2: {  	_ =	swait.ge [sflag:s23], $0x1  }
0xa3: {  	[sflag:s23] =	ssyncset.done $0x0  }
0xa4: {  	[sflag:s23] =	ssyncadd.s32 $0xFFFFFFFF  }
0xa5: {  	s4 =	sld [smem:$0x0]  }
0xa6: {  	s5 =	sand.u32 $0xFFFFFFFE, s1  }
0xa7: {  	p0 =	sne.s32 s1, s5  }
0xa8: {  	s5 =	sshll.u32 @p0 s5, $0xE  }
0xa9: {  	s5 =	sadd.s32 @p0 $0x11B8D, s5;
	s6 =	sshll.u32 @p0 s4, $0x11  }
0xaa: {  	s5 =	sor.u32 @p0 s6, s5  }
0xab: {  	[sflag:s5] =	ssyncadd.remote.s32 @p0 $0x1;
	_ =	sdelay $0x1  }
0xac: {  	s5 =	simm.s32 @p0 $0x1B8D  }
0xad: {  	_ =	swait.eq @p0 [sflag:s5], $0x1  }
0xae: {  	[sflag:s5] =	ssyncadd.s32 @p0 $0xFFFFFFFF  }
0xaf: {  	s6 =	sshll.u32 @!p0 s1, $0xE  }
0xb0: {  	s6 =	sor.u32 @!p0 $0x4000, s6;
	s5 =	simm.s32 @!p0 $0x1B8D  }
0xb1: {  	s4 =	sshll.u32 @!p0 s4, $0x11;
	s6 =	sadd.s32 @!p0 $0x11B8D, s6;
	_ =	swait.eq @!p0 [sflag:s5], $0x1  }
0xb2: {  	s4 =	sor.u32 @!p0 s4, s6;
	[sflag:s5] =	ssyncadd.s32 @!p0 $0xFFFFFFFF  }
0xb3: {  	s25 =	simm.s32 $0x1B8E;
	s24 =	sld [smem:$0x3FFE];
	[sflag:s4] =	ssyncadd.remote.s32 @!p0 $0x1  }
0xb4: {  	s26 =	simm.s32 $execute0_lowered;
	[smem:$0x3FD2] =	sst s25  }
0xb5: {  	s5 =	sshll.u32 s26, $0x1;
	_ =	strace $0x8000004C;
	[dreg:$0x1] =	wrdreg $0xFFFFFFFF  }
0xb6: {  	s28 =	simm.s32 $_size_execute0_lowered;
	s3 =	sadd.s32 s3, s5;
	[dreg:$0x0] =	wrdreg $0x0  }
0xb7: {  	s5 =	sshll.u32 s28, $0x1;
	[dreg:$0x2] =	wrdreg s3  }
0xb8: {  	[dreg:$0x3] =	wrdreg s5  }
0xb9: {  	[dreg:$0x4] =	wrdreg $0xC0  }
0xba: {  	_ =	task [dreg:s22], $0x5FFFF  }
0xbb: {  	[dreg:$0x1] =	wrdreg $0xFFFFFFFF  }
0xbc: {  	[dreg:$0x0] =	wrdreg $0x60  }
0xbd: {  	[dreg:$0x2] =	wrdreg s24  }
0xbe: {  	[dreg:$0x3] =	wrdreg $0xB  }
0xbf: {  	_ =	task.clear_ibuf [dreg:s22], $0x4FFFF;
	_ =	strace $0x9000004C  }
0xc0: {  	s29 =	simm.s32 $0xB;
	_ =	strace $0x8000004E  }
0xc1: {  	_ =	swait.ge [sflag:s29], $0x1  }
0xc2: {  	[sflag:s29] =	ssyncadd.s32 $0xFFFFFFFF  }
0xc3: {  	_ =	strace $0x9000004E  }
0xc4: {  	_ =	sfence  }
0xc5: {  	s30 =	sld [smem:$0x0];
	_ =	sdelay $0x2  }
0xc6: {  	s31 =	sshll.u32 s1, $0xD;
	s1 =	sshrl.u32 s1, $0x2  }
0xc7: {  	s4 =	sand.u32 $0x4000, s31;
	s1 =	sadd.s32 s1, s30  }
0xc8: {  	s0 =	sor.u32 s4, s0;
	s1 =	sshll.u32 s1, $0x11  }
0xc9: {  	s0 =	sor.u32 s1, s0  }
0xca: {  	s0 =	sadd.s32 $0x8F2B, s0  }
0xcb: {  	[sflag:s0] =	ssyncadd.remote.s32 $0x1  }
0xcc: {  	_ =	sfence.sel $0xFFFF  }
0xcd: {  	[dreg:$0x0] =	wrdreg $0xFFFFFFFF;
	(pc) =	sbr.abs _section_cstart, $3  }
0xce: {  	[dreg:$0x1] =	wrdreg $0xFFFFFFFF  }
0xcf: {  	_ =	task.clear_ibuf [dreg:s22], $0x2FFFF;
	_ =	strace $0x9FFFFFFF  }
0xd0: {  	(tm) =	ssettm $0x7FFFFFFF  }
0xd1: {  	_ =	shalt  }
tec
execute0_lowered:
.L_overlay_start_1:
0x0: {  	(tag) =	ssettag $0x1  }
0x1: {  	s1 =	srdreg.scid  }
0x2: {  	s0 =	stileid.u32;
	s23 =	sand.u32 $0x1, s1  }
0x3: {  	s30 =	sshll.u32 s0, $0x9;
	s2 =	sshll.u32 s23, $0x8  }
0x4: {  	s13 =	sor.u32 s2, s30  }
0x5: {  	s21 =	rddreg [dreg:$0x0];
	s2 =	simm.s32 $0x0;
	s3 =	sshrl.u32 s13, $0x3  }
0x6: {  	s4 =	simm.s32 $0x4;
	[smem:$0x7FF] =	sst s2;
	s7 =	sadd.s32 s3, s21  }
0x7: {  	s1 =	rddreg [dreg:$0x1];
	_ =	strace $0x8000004D;
	s3 =	sadd.s32 $0x416800, s7  }
0x8: {  	[tilespmem:s2], [sflag:$0x4] =	stream.linear.gather [hbm4b:s3+s2], $0x100, $0x38;
	[tilespmem:$0x8300] =	vst v63  }
0x9: {  	_ =	swait.ge [sflag:s4], $0x100  }
0xa: {  	[sflag:s4] =	ssyncset.done $0x0  }
0xb: {  	s6 =	simm.s32 $0x100;
	s5 =	sadd.s32 $0x417800, s7;
	[sflag:s4] =	ssyncadd.s32 $0xFFFFFF00  }
0xc: {  	[tilespmem:s6], [sflag:$0x4] =	stream.linear.gather [hbm4b:s5+s2], $0x100, $0x38;
	[tilespmem:$0x8300] =	vst v63  }
0xd: {  	_ =	swait.ge [sflag:s4], $0x100  }
0xe: {  	[sflag:s4] =	ssyncset.done $0x0  }
0xf: {  	s8 =	simm.s32 $0x200;
	s7 =	sadd.s32 $0x417400, s7;
	[sflag:s4] =	ssyncadd.s32 $0xFFFFFF00  }
0x10: {  	[tilespmem:s8], [sflag:$0x4] =	stream.linear.gather [hbm4b:s7+s2], $0x100, $0x38;
	[tilespmem:$0x8300] =	vst v63  }
0x11: {  	_ =	swait.ge [sflag:s4], $0x100  }
0x12: {  	s10 =	simm.s32 $0x80;
	s11 =	simm.s32 $0x300;
	[sflag:s4] =	ssyncset.done $0x0  }
0x13: {  	s12 =	simm.s32 $0x1;
	s9 =	sadd.s32 $0x45A00, s21;
	[sflag:s4] =	ssyncadd.s32 $0xFFFFFF00  }
0x14: {  	[tilespmem:s11], [sflag:$0x1] =	stream.indirect.gather [hbm4b:s9+s10], $0x80, s2, s10, $0xb8;
	[tilespmem:$0x8300] =	vst v63  }
0x15: {  	_ =	swait.ge [sflag:s12], $0x4000  }
0x16: {  	s16 =	sadd.s32 $0x477C00, s21;
	[sflag:s12] =	ssyncset.done $0x0  }
0x17: {  	s22 =	sshll.u32 s13, $0x4;
	s13 =	simm.s32 $0x4300;
	[sflag:s12] =	ssyncadd.s32 $0xFFFFC000  }
0x18: {  	[tilespmem:s13], [sflag:$0x1] =	stream.indirect.gather [hbm4b:s9+s10], $0x80, s10, s10, $0xb8;
	[tilespmem:$0x8300] =	vst v63  }
0x19: {  	s14 =	sadd.s32 s16, s22  }
0x1a: {  	[hbm4b:s14+s2] =	stream.linear.scatter [tilespmem:s11], [sflag:$0x2], $0x4000, $0x38;
	[tilespmem:$0x8300] =	vst v63  }
0x1b: {  	_ =	swait.ge [sflag:s12], $0x4000  }
0x1c: {  	[sflag:s12] =	ssyncset.done $0x0  }
0x1d: {  	s15 =	simm.s32 $0x2;
	[sflag:s12] =	ssyncadd.s32 $0xFFFFC000  }
0x1e: {  	_ =	swait.ge [sflag:s15], $0x4000  }
0x1f: {  	[sflag:s15] =	ssyncset.done $0x0  }
0x20: {  	s24 =	sor.u32 $0x800, s22;
	[sflag:s15] =	ssyncadd.s32 $0xFFFFC000  }
0x21: {  	[tilespmem:s11], [sflag:$0x1] =	stream.indirect.gather [hbm4b:s9+s10], $0x80, s6, s10, $0xb8;
	[tilespmem:$0x8300] =	vst v63  }
0x22: {  	s16 =	sadd.s32 s16, s24  }
0x23: {  	[hbm4b:s16+s2] =	stream.linear.scatter [tilespmem:s13], [sflag:$0x3], $0x4000, $0x38;
	[tilespmem:$0x8300] =	vst v63  }
0x24: {  	_ =	swait.ge [sflag:s12], $0x4000  }
0x25: {  	[sflag:s12] =	ssyncset.done $0x0  }
0x26: {  	s17 =	simm.s32 $0x3;
	[sflag:s12] =	ssyncadd.s32 $0xFFFFC000  }
0x27: {  	_ =	swait.ge [sflag:s17], $0x4000  }
0x28: {  	[sflag:s17] =	ssyncset.done $0x0  }
0x29: {  	s18 =	simm.s32 $0x180;
	s20 =	sadd.s32 $0x497C00, s21;
	[sflag:s17] =	ssyncadd.s32 $0xFFFFC000  }
0x2a: {  	[tilespmem:s13], [sflag:$0x1] =	stream.indirect.gather [hbm4b:s9+s10], $0x80, s18, s10, $0xb8;
	[tilespmem:$0x8300] =	vst v63  }
0x2b: {  	s19 =	sadd.s32 s20, s22  }
0x2c: {  	[hbm4b:s19+s2] =	stream.linear.scatter [tilespmem:s11], [sflag:$0x2], $0x4000, $0x38;
	[tilespmem:$0x8300] =	vst v63  }
0x2d: {  	_ =	swait.ge [sflag:s12], $0x4000  }
0x2e: {  	[sflag:s12] =	ssyncset.done $0x0  }
0x2f: {  	[sflag:s12] =	ssyncadd.s32 $0xFFFFC000  }
0x30: {  	_ =	swait.ge [sflag:s15], $0x4000  }
0x31: {  	[sflag:s15] =	ssyncset.done $0x0  }
0x32: {  	[sflag:s15] =	ssyncadd.s32 $0xFFFFC000  }
0x33: {  	[tilespmem:s11], [sflag:$0x1] =	stream.indirect.gather [hbm4b:s9+s10], $0x80, s8, s10, $0xb8;
	[tilespmem:$0x8300] =	vst v63  }
0x34: {  	s20 =	sadd.s32 s20, s24  }
0x35: {  	[hbm4b:s20+s2] =	stream.linear.scatter [tilespmem:s13], [sflag:$0x3], $0x4000, $0x38;
	[tilespmem:$0x8300] =	vst v63  }
0x36: {  	_ =	swait.ge [sflag:s12], $0x4000  }
0x37: {  	[sflag:s12] =	ssyncset.done $0x0  }
0x38: {  	[sflag:s12] =	ssyncadd.s32 $0xFFFFC000  }
0x39: {  	_ =	swait.ge [sflag:s17], $0x4000  }
0x3a: {  	s25 =	sadd.s32 $0x4B7C00, s21;
	[sflag:s17] =	ssyncset.done $0x0  }
0x3b: {  	s26 =	ssub.s32 $0x2, s23;
	s21 =	simm.s32 $0x280;
	[sflag:s17] =	ssyncadd.s32 $0xFFFFC000  }
0x3c: {  	[tilespmem:s13], [sflag:$0x1] =	stream.indirect.gather [hbm4b:s9+s10], $0x80, s21, s10, $0xb8;
	[tilespmem:$0x8300] =	vst v63  }
0x3d: {  	s31 =	sshrl.u32 s26, $0x1;
	s22 =	sadd.s32 s25, s22  }
0x3e: {  	[hbm4b:s22+s2] =	stream.linear.scatter [tilespmem:s11], [sflag:$0x2], $0x4000, $0x38;
	[tilespmem:$0x8300] =	vst v63  }
0x3f: {  	s23 =	sadd.s32 s25, s24;
	s24 =	ssub.s32 s26, s31;
	_ =	swait.ge [sflag:s12], $0x4000  }
0x40: {  	s24 =	smax.u32 s24, $0x1;
	[sflag:s12] =	ssyncset.done $0x0  }
0x41: {  	p0 =	sne.s32 s24, $0x1;
	[sflag:s12] =	ssyncadd.s32 $0xFFFFC000  }
0x42: {  	[hbm4b:s23+s2] =	stream.linear.scatter [tilespmem:s13], [sflag:$0x3], $0x4000, $0x38;
	[tilespmem:$0x8300] =	vst v63  }
.Ltmp0:
0x43: {  	_ =	swait.ge [sflag:s15], $0x4000;
	(pc) =	sbr.rel @!p0 .LBB2_2-.Ltmp0, $4  }
0x44: {  	[sflag:s15] =	ssyncset.done $0x0  }
0x45: {  	[sflag:s15] =	ssyncadd.s32 $0xFFFFC000  }
0x46: {  	_ =	swait.ge [sflag:s17], $0x4000  }
0x47: {  	s24 =	sadd.s32 $0xFFFFFFFF, s24;
	[sflag:s17] =	ssyncset.done $0x0  }
.LBB2_1:
0x48: {  	p0 =	sne.s32 s24, $0x1;
	s24 =	sadd.s32 $0xFFFFFFFF, s24;
	[sflag:s17] =	ssyncadd.s32 $0xFFFFC000  }
0x49: {  	[tilespmem:s2], [sflag:$0x4] =	stream.linear.gather [hbm4b:s3+s2], $0x100, $0x38;
	[tilespmem:$0x8300] =	vst v63  }
0x4a: {  	_ =	swait.ge [sflag:s4], $0x100  }
0x4b: {  	[sflag:s4] =	ssyncset.done $0x0  }
0x4c: {  	[sflag:s4] =	ssyncadd.s32 $0xFFFFFF00  }
0x4d: {  	[tilespmem:s6], [sflag:$0x4] =	stream.linear.gather [hbm4b:s5+s2], $0x100, $0x38;
	[tilespmem:$0x8300] =	vst v63  }
0x4e: {  	_ =	swait.ge [sflag:s4], $0x100  }
0x4f: {  	[sflag:s4] =	ssyncset.done $0x0  }
0x50: {  	[sflag:s4] =	ssyncadd.s32 $0xFFFFFF00  }
0x51: {  	[tilespmem:s8], [sflag:$0x4] =	stream.linear.gather [hbm4b:s7+s2], $0x100, $0x38;
	[tilespmem:$0x8300] =	vst v63  }
0x52: {  	_ =	swait.ge [sflag:s4], $0x100  }
0x53: {  	[sflag:s4] =	ssyncset.done $0x0  }
0x54: {  	[sflag:s4] =	ssyncadd.s32 $0xFFFFFF00  }
0x55: {  	[tilespmem:s11], [sflag:$0x1] =	stream.indirect.gather [hbm4b:s9+s10], $0x80, s2, s10, $0xb8;
	[tilespmem:$0x8300] =	vst v63  }
0x56: {  	_ =	swait.ge [sflag:s12], $0x4000  }
0x57: {  	[sflag:s12] =	ssyncset.done $0x0  }
0x58: {  	[sflag:s12] =	ssyncadd.s32 $0xFFFFC000  }
0x59: {  	[tilespmem:s13], [sflag:$0x1] =	stream.indirect.gather [hbm4b:s9+s10], $0x80, s10, s10, $0xb8;
	[tilespmem:$0x8300] =	vst v63  }
0x5a: {  	_ = 	snop  }
0x5b: {  	[hbm4b:s14+s2] =	stream.linear.scatter [tilespmem:s11], [sflag:$0x2], $0x4000, $0x38;
	[tilespmem:$0x8300] =	vst v63  }
0x5c: {  	_ =	swait.ge [sflag:s12], $0x4000  }
0x5d: {  	[sflag:s12] =	ssyncset.done $0x0  }
0x5e: {  	[sflag:s12] =	ssyncadd.s32 $0xFFFFC000  }
0x5f: {  	_ =	swait.ge [sflag:s15], $0x4000  }
0x60: {  	[sflag:s15] =	ssyncset.done $0x0  }
0x61: {  	[sflag:s15] =	ssyncadd.s32 $0xFFFFC000  }
0x62: {  	[tilespmem:s11], [sflag:$0x1] =	stream.indirect.gather [hbm4b:s9+s10], $0x80, s6, s10, $0xb8;
	[tilespmem:$0x8300] =	vst v63  }
0x63: {  	_ = 	snop  }
0x64: {  	[hbm4b:s16+s2] =	stream.linear.scatter [tilespmem:s13], [sflag:$0x3], $0x4000, $0x38;
	[tilespmem:$0x8300] =	vst v63  }
0x65: {  	_ =	swait.ge [sflag:s12], $0x4000  }
0x66: {  	[sflag:s12] =	ssyncset.done $0x0  }
0x67: {  	[sflag:s12] =	ssyncadd.s32 $0xFFFFC000  }
0x68: {  	_ =	swait.ge [sflag:s17], $0x4000  }
0x69: {  	[sflag:s17] =	ssyncset.done $0x0  }
0x6a: {  	[sflag:s17] =	ssyncadd.s32 $0xFFFFC000  }
0x6b: {  	[tilespmem:s13], [sflag:$0x1] =	stream.indirect.gather [hbm4b:s9+s10], $0x80, s18, s10, $0xb8;
	[tilespmem:$0x8300] =	vst v63  }
0x6c: {  	_ = 	snop  }
0x6d: {  	[hbm4b:s19+s2] =	stream.linear.scatter [tilespmem:s11], [sflag:$0x2], $0x4000, $0x38;
	[tilespmem:$0x8300] =	vst v63  }
0x6e: {  	_ =	swait.ge [sflag:s12], $0x4000  }
0x6f: {  	[sflag:s12] =	ssyncset.done $0x0  }
0x70: {  	[sflag:s12] =	ssyncadd.s32 $0xFFFFC000  }
0x71: {  	_ =	swait.ge [sflag:s15], $0x4000  }
0x72: {  	[sflag:s15] =	ssyncset.done $0x0  }
0x73: {  	[sflag:s15] =	ssyncadd.s32 $0xFFFFC000  }
0x74: {  	[tilespmem:s11], [sflag:$0x1] =	stream.indirect.gather [hbm4b:s9+s10], $0x80, s8, s10, $0xb8;
	[tilespmem:$0x8300] =	vst v63  }
0x75: {  	_ = 	snop  }
0x76: {  	[hbm4b:s20+s2] =	stream.linear.scatter [tilespmem:s13], [sflag:$0x3], $0x4000, $0x38;
	[tilespmem:$0x8300] =	vst v63  }
0x77: {  	_ =	swait.ge [sflag:s12], $0x4000  }
0x78: {  	[sflag:s12] =	ssyncset.done $0x0  }
0x79: {  	[sflag:s12] =	ssyncadd.s32 $0xFFFFC000  }
0x7a: {  	_ =	swait.ge [sflag:s17], $0x4000  }
0x7b: {  	[sflag:s17] =	ssyncset.done $0x0  }
0x7c: {  	[sflag:s17] =	ssyncadd.s32 $0xFFFFC000  }
0x7d: {  	[tilespmem:s13], [sflag:$0x1] =	stream.indirect.gather [hbm4b:s9+s10], $0x80, s21, s10, $0xb8;
	[tilespmem:$0x8300] =	vst v63  }
0x7e: {  	_ = 	snop  }
0x7f: {  	[hbm4b:s22+s2] =	stream.linear.scatter [tilespmem:s11], [sflag:$0x2], $0x4000, $0x38;
	[tilespmem:$0x8300] =	vst v63  }
0x80: {  	_ =	swait.ge [sflag:s12], $0x4000  }
0x81: {  	[sflag:s12] =	ssyncset.done $0x0  }
0x82: {  	[sflag:s12] =	ssyncadd.s32 $0xFFFFC000  }
0x83: {  	[hbm4b:s23+s2] =	stream.linear.scatter [tilespmem:s13], [sflag:$0x3], $0x4000, $0x38;
	[tilespmem:$0x8300] =	vst v63  }
.Ltmp1:
0x84: {  	_ =	swait.ge [sflag:s15], $0x4000;
	(pc) =	sbr.rel @p0 .LBB2_1-.Ltmp1, $4  }
0x85: {  	[sflag:s15] =	ssyncset.done $0x0  }
0x86: {  	[sflag:s15] =	ssyncadd.s32 $0xFFFFC000  }
0x87: {  	_ =	swait.ge [sflag:s17], $0x4000  }
0x88: {  	[sflag:s17] =	ssyncset.done $0x0  }
.LBB2_2:
0x89: {  	[sflag:s17] =	ssyncadd.s32 $0xFFFFC000  }
0x8a: {  	_ =	sfence.sel $0x180000  }
0x8b: {  	[bflag:$0x0] =	sbarrier.arrive $0xFFFF  }
0x8c: {  	p0 =	sne.s32 s0, $0x0;
	_ =	strace $0x9000004D  }
0x8d: {  	s0 =	sadd.s32 @!p0 $0x100000, s1;
	[bflag:$0x2] =	sbarrier.arrive $0xFFFF  }
0x8e: {  	[sflag:s0] =	ssyncadd.tile.s32 @!p0 $0x1;
	_ =	shalt  }
.Lfunc_end2:
_tile_overlayer_lowered:
.L_overlay_start_2:
0x8f: {  	(tag) =	ssettag $0x2  }
0x90: {  	s0 =	rddreg [dreg:$0x0];
	s2 =	stileid.u32  }
0x91: {  	s1 =	rddreg [dreg:$0x1];
	p0 =	sne.s32 s2, $0x0  }
0x92: {  	s3 =	rddreg [dreg:$0x2];
	[bflag:$0x3] =	sbarrier.arrive $0xFFFF;
	s2 =	simm.s32 @!p0 $0x1C04  }
0x93: {  	[timem:s3], [sflag:s2] =	dma.local @!p0 [hbm:s0], s1  }
0x94: {  	s0 =	simm.s32 @!p0 $0x4  }
0x95: {  	_ =	swait.ge @!p0 [sflag:s0], s1  }
0x96: {  	s1 =	ssub.s32 @!p0 $0x0, s1;
	[sflag:s0] =	ssyncset.done @!p0 $0x0  }
0x97: {  	[sflag:s0] =	ssyncadd.s32 @!p0 s1  }
0x98: {  	[bflag:$0x3] =	sbarrier.arrive $0xFFFF  }
0x99: {  	_ =	shalt  }

// kernel: kernel.8.cloned.1.call-start
scs
__scs_entry_jumppad:
0x0: {  	(pc) =	sbr.rel $0x88, $3  }
0x1: {  	(tag) =	ssettag $0x0;
	lr =	simm.s32 $0x1  }
0x2: {  	[smem:$0x3F9D] =	sst lr;
	_ =	strace $0xD0000000  }
0x3: {  	_ = 	snop  }
0x4: {  	_ = 	snop  }
0x5: {  	_ = 	snop  }
0x6: {  	_ = 	snop  }
0x7: {  	_ = 	snop  }
__scs_overlays_trampoline_lowered:
0x8: {  	[smem:$0x3FAC] =	sst s0  }
0x9: {  	[smem:$0x3FAD] =	sst s1  }
0xa: {  	[smem:$0x3FAE] =	sst s2  }
0xb: {  	[smem:$0x3FAF] =	sst s3  }
0xc: {  	[smem:$0x3FB0] =	sst s4  }
0xd: {  	[smem:$0x3FB1] =	sst s5  }
0xe: {  	[smem:$0x3FB2] =	sst s6  }
0xf: {  	[smem:$0x3FB3] =	sst s7  }
0x10: {  	[smem:$0x3FB4] =	sst s8  }
0x11: {  	[smem:$0x3FB5] =	sst s9;
	s0 =	simm.s32 @!p0 $0x0  }
0x12: {  	s1 =	sld [smem:$0x3F9B];
	s0 =	simm.s32 @p0 $0x1  }
0x13: {  	[smem:$0x3FB6] =	sst s0;
	s0 =	simm.s32 @!p1 $0x0  }
0x14: {  	s2 =	sld [smem:$0x3F9A];
	s0 =	simm.s32 @p1 $0x1  }
0x15: {  	[smem:$0x3FB7] =	sst s0;
	s0 =	simm.s32 @!p2 $0x0  }
0x16: {  	s3 =	sld [smem:$0x3FDB];
	s0 =	simm.s32 @p2 $0x1  }
0x17: {  	s4 =	simm.s32 $0x1BF5;
	[smem:$0x3FB9] =	sst s0  }
0x18: {  	s0 =	sld [smem:$0x3F9C];
	_ =	swait.ge [sflag:s4], $0x0  }
0x19: {  	s7 =	sld [smem:$0x3F9D]  }
0x1a: {  	s8 =	sadd.s32 $0xFFFFE003, lr  }
0x1b: {  	s9 =	sadd.s32 $0xFFFFFEF7, lr;
	s5 =	simm.s32 $0xFFFFFFFF;
	p2 =	slt.u32 s8, $0xFFFFF086  }
0x1c: {  	p1 =	slt.u32 s9, $0xF7A;
	s5 =	simm.s32 @!p2 $0x0  }
0x1d: {  	s5 =	simm.s32 @p1 $0x1;
	p0 =	seq.s32 s7, s2  }
0x1e: {  	s7 =	smul.u32 @!p0 $0xF7A, s2;
	p2 =	seq.s32 @!p0 s5, $0x0  }
0x1f: {  	s9 =	smul.u32 $0xF7A, s1;
	s8 =	simm.s32 @!p0 $0x1BF5;
	p2 =	por !p2, p0  }
0x20: {  	[sflag:s8] =	ssyncset.s32 @!p0 $0xFFFFF086;
	s6 =	sadd.s32 @!p0 s3, s7;
	s7 =	simm.s32 @!p0 $0x108  }
0x21: {  	s3 =	sadd.s32 s3, s9;
	s6 =	sadd.s32 @!p0 $0x88, s6;
	s7 =	simm.s32 @p2 $0x1082  }
0x22: {  	[simem:s7], [sflag:s8] =	dma.local @!p0 [hbm:s6], $0xF7A  }
0x23: {  	s9 =	sor.u32 $0xD0000000, s2;
	s6 =	simm.s32 $0x108;
	_ =	swait.ge @!p0 [sflag:s8], $0x0  }
0x24: {  	s3 =	sadd.s32 $0x88, s3;
	s6 =	simm.s32 @!p1 $0x1082;
	[sflag:s4] =	ssyncset.s32 $0xFFFFF086  }
0x25: {  	[simem:s6], [sflag:s4] =	dma.local [hbm:s3], $0xF7A  }
0x26: {  	[smem:$0x3F9D] =	sst s1;
	(tag) =	ssettag s2;
	_ =	strace s9  }
0x27: {  	s1 =	sld [smem:$0x3FAD]  }
0x28: {  	s2 =	sld [smem:$0x3FAE]  }
0x29: {  	s4 =	sld [smem:$0x3FB0]  }
0x2a: {  	p0 =	seq.s32 s5, $0x0;
	s5 =	sld [smem:$0x3FB1]  }
0x2b: {  	s6 =	sld [smem:$0x3FB2]  }
0x2c: {  	s7 =	sld [smem:$0x3FB3]  }
0x2d: {  	s3 =	simm.s32 $0x108;
	s8 =	sld [smem:$0x3FB4]  }
0x2e: {  	s3 =	simm.s32 @!p0 $0x1082;
	s9 =	sld [smem:$0x3FB5]  }
0x2f: {  	lr =	sadd.s32 s0, s3;
	s0 =	sld [smem:$0x3FAC]  }
0x30: {  	s3 =	sld [smem:$0x3FAF]  }
0x31: {  	[smem:$0x3FB8] =	sst s10  }
0x32: {  	s10 =	sld [smem:$0x3FB6];
	_ =	sdelay $0x3  }
0x33: {  	p0 =	seq.s32 s10, $0x1;
	s10 =	sld [smem:$0x3FB8];
	_ =	sdelay $0x3  }
0x34: {  	[smem:$0x3FB8] =	sst s10  }
0x35: {  	s10 =	sld [smem:$0x3FB7];
	_ =	sdelay $0x3  }
0x36: {  	p1 =	seq.s32 s10, $0x1;
	s10 =	sld [smem:$0x3FB8];
	_ =	sdelay $0x3  }
0x37: {  	[smem:$0x3FB8] =	sst s10  }
0x38: {  	s10 =	sld [smem:$0x3FB9]  }
0x39: {  	_ = 	snop;
	(pc) =	sbr.ind lr, $3  }
0x3a: {  	_ = 	snop  }
0x3b: {  	_ = 	snop  }
0x3c: {  	p2 =	seq.s32 s10, $0x1;
	s10 =	sld [smem:$0x3FB8]  }
0x3d: {  	_ =	shalt  }
0x3e: {  	_ =	shalt  }
0x3f: {  	_ =	shalt  }
0x40: {  	_ =	shalt  }
0x41: {  	_ =	shalt  }
0x42: {  	_ =	shalt  }
0x43: {  	_ =	shalt  }
0x44: {  	_ =	shalt  }
0x45: {  	_ =	shalt  }
0x46: {  	_ =	shalt  }
0x47: {  	_ =	shalt  }
0x48: {  	_ =	shalt  }
0x49: {  	_ =	shalt  }
0x4a: {  	_ =	shalt  }
0x4b: {  	_ =	shalt  }
0x4c: {  	_ =	shalt  }
0x4d: {  	_ =	shalt  }
0x4e: {  	_ =	shalt  }
0x4f: {  	_ =	shalt  }
0x50: {  	_ =	shalt  }
0x51: {  	_ =	shalt  }
0x52: {  	_ =	shalt  }
0x53: {  	_ =	shalt  }
0x54: {  	_ =	shalt  }
0x55: {  	_ =	shalt  }
0x56: {  	_ =	shalt  }
0x57: {  	_ =	shalt  }
0x58: {  	_ =	shalt  }
0x59: {  	_ =	shalt  }
0x5a: {  	_ =	shalt  }
0x5b: {  	_ =	shalt  }
0x5c: {  	_ =	shalt  }
0x5d: {  	_ =	shalt  }
0x5e: {  	_ =	shalt  }
0x5f: {  	_ =	shalt  }
0x60: {  	_ =	shalt  }
0x61: {  	_ =	shalt  }
0x62: {  	_ =	shalt  }
0x63: {  	_ =	shalt  }
0x64: {  	_ =	shalt  }
0x65: {  	_ =	shalt  }
0x66: {  	_ =	shalt  }
0x67: {  	_ =	shalt  }
0x68: {  	_ =	shalt  }
0x69: {  	_ =	shalt  }
0x6a: {  	_ =	shalt  }
0x6b: {  	_ =	shalt  }
0x6c: {  	_ =	shalt  }
0x6d: {  	_ =	shalt  }
0x6e: {  	_ =	shalt  }
0x6f: {  	_ =	shalt  }
0x70: {  	_ =	shalt  }
0x71: {  	_ =	shalt  }
0x72: {  	_ =	shalt  }
0x73: {  	_ =	shalt  }
0x74: {  	_ =	shalt  }
0x75: {  	_ =	shalt  }
0x76: {  	_ =	shalt  }
0x77: {  	_ =	shalt  }
0x78: {  	_ =	shalt  }
0x79: {  	_ =	shalt  }
0x7a: {  	_ =	shalt  }
0x7b: {  	_ =	shalt  }
0x7c: {  	_ =	shalt  }
0x7d: {  	_ =	shalt  }
0x7e: {  	_ =	shalt  }
0x7f: {  	_ =	shalt  }
0x80: {  	_ =	shalt  }
0x81: {  	_ =	shalt  }
0x82: {  	_ =	shalt  }
0x83: {  	_ =	shalt  }
0x84: {  	_ =	shalt  }
0x85: {  	_ =	shalt  }
0x86: {  	_ =	shalt  }
0x87: {  	_ =	shalt  }
.Lfunc_end0:
.L_simem_size_0:
called_computation_lowered:
.L_overlay_start_0:
0x88: {  	s2 =	sld [smem:$0x3FD9]  }
0x89: {  	s3 =	sld [smem:$0x3FFE];
	_ =	sdelay $0x1  }
0x8a: {  	s1 =	srdreg.scid  }
0x8b: {  	s0 =	sand.u32 $0x1, s1  }
0x8c: {  	s16 =	sshll.u32 s0, $0xA;
	s2 =	sadd.s32 s3, s2  }
0x8d: {  	s2 =	sadd.s32 s2, s16  }
0x8e: {  	[smem:$0x3FC4] =	sst s2  }
0x8f: {  	_ = 	snop  }
0x90: {  	(tm) =	ssettm $0x1  }
0x91: {  	s17 =	sld [smem:$0x3FFB];
	_ =	sdelay $0x3  }
0x92: {  	_ =	strace s17  }
0x93: {  	s2 =	sld [smem:$0x3FFC];
	_ =	sdelay $0x3  }
0x94: {  	_ =	strace s2  }
0x95: {  	s2 =	sld [smem:$0x3FFD];
	_ =	sdelay $0x3  }
0x96: {  	_ =	strace s2  }
0x97: {  	_ =	strace $0x8FFFFFFF  }
0x98: {  	s18 =	sld [smem:$0x3FDB];
	_ =	sdelay $0x1  }
0x99: {  	s19 =	simm.s32 $_scs_section_size  }
0x9a: {  	s4 =	simm.s32 $_size__tile_overlayer_lowered;
	s5 =	simm.s32 $_tile_overlayer_lowered  }
0x9b: {  	s22 =	simm.s32 $0x1BFF;
	s21 =	sshll.u32 s5, $0x1;
	s2 =	sadd.s32 s19, s18  }
0x9c: {  	s6 =	simm.s32 $0x0;
	s20 =	sshll.u32 s4, $0x1;
	s4 =	sadd.s32 s21, s2  }
0x9d: {  	[timem:s6], [sflag:s22] =	dma.local [hbm:s4], s20  }
0x9e: {  	_ =	swait.ge [sflag:s22], s20  }
0x9f: {  	s3 =	ssub.s32 $0x0, s20;
	[sflag:s22] =	ssyncset.done $0x0  }
0xa0: {  	[sflag:s22] =	ssyncadd.s32 s3;
	_ =	sdelay $0x1  }
0xa1: {  	s23 =	simm.s32 $0x1B8B  }
0xa2: {  	_ =	swait.ge [sflag:s23], $0x1  }
0xa3: {  	[sflag:s23] =	ssyncset.done $0x0  }
0xa4: {  	s25 =	simm.s32 $0x1B8E;
	s24 =	sld [smem:$0x3FFE];
	[sflag:s23] =	ssyncadd.s32 $0xFFFFFFFF  }
0xa5: {  	s26 =	simm.s32 $execute0_lowered;
	[smem:$0x3FD2] =	sst s25  }
0xa6: {  	s4 =	sshll.u32 s26, $0x1;
	_ =	strace $0x80000046;
	[dreg:$0x1] =	wrdreg $0xFFFFFFFF  }
0xa7: {  	s28 =	simm.s32 $_size_execute0_lowered;
	s2 =	sadd.s32 s2, s4;
	[dreg:$0x0] =	wrdreg $0x0  }
0xa8: {  	s4 =	sshll.u32 s28, $0x1;
	[dreg:$0x2] =	wrdreg s2  }
0xa9: {  	[dreg:$0x3] =	wrdreg s4  }
0xaa: {  	[dreg:$0x4] =	wrdreg $0xC0  }
0xab: {  	_ =	task [dreg:s6], $0x5FFFF  }
0xac: {  	[dreg:$0x1] =	wrdreg $0xFFFFFFFF  }
0xad: {  	[dreg:$0x0] =	wrdreg $0x60  }
0xae: {  	[dreg:$0x2] =	wrdreg s24  }
0xaf: {  	[dreg:$0x3] =	wrdreg $0x9  }
0xb0: {  	_ =	task.clear_ibuf [dreg:s6], $0x4FFFF;
	_ =	strace $0x90000046  }
0xb1: {  	s29 =	simm.s32 $0x9;
	_ =	strace $0x80000048  }
0xb2: {  	_ =	swait.ge [sflag:s29], $0x1  }
0xb3: {  	[sflag:s29] =	ssyncadd.s32 $0xFFFFFFFF  }
0xb4: {  	_ =	strace $0x90000048  }
0xb5: {  	_ =	sfence  }
0xb6: {  	s30 =	sld [smem:$0x0];
	_ =	sdelay $0x2  }
0xb7: {  	s31 =	sshll.u32 s1, $0xD;
	s1 =	sshrl.u32 s1, $0x2  }
0xb8: {  	s3 =	sand.u32 $0x4000, s31;
	s1 =	sadd.s32 s1, s30  }
0xb9: {  	s0 =	sor.u32 s3, s0;
	s1 =	sshll.u32 s1, $0x11  }
0xba: {  	s0 =	sor.u32 s1, s0  }
0xbb: {  	s0 =	sadd.s32 $0x8F2B, s0  }
0xbc: {  	[sflag:s0] =	ssyncadd.remote.s32 $0x1  }
0xbd: {  	_ =	sfence.sel $0xFFFF  }
0xbe: {  	[dreg:$0x0] =	wrdreg $0xFFFFFFFF;
	(pc) =	sbr.abs _section_cstart, $3  }
0xbf: {  	[dreg:$0x1] =	wrdreg $0xFFFFFFFF  }
0xc0: {  	_ =	task.clear_ibuf [dreg:s6], $0x2FFFF;
	_ =	strace $0x9FFFFFFF  }
0xc1: {  	(tm) =	ssettm $0x7FFFFFFF  }
tec
execute0_lowered:
.L_overlay_start_1:
0x0: {  	(tag) =	ssettag $0x1  }
0x1: {  	s1 =	srdreg.scid  }
0x2: {  	s0 =	stileid.u32;
	s11 =	sand.u32 $0x1, s1  }
0x3: {  	s31 =	sshll.u32 s0, $0xA;
	s2 =	sshll.u32 s11, $0x9  }
0x4: {  	s10 =	sor.u32 s2, s31  }
0x5: {  	s9 =	rddreg [dreg:$0x0];
	s2 =	simm.s32 $0x0;
	s3 =	sshrl.u32 s10, $0x3  }
0x6: {  	s4 =	simm.s32 $0x4;
	[smem:$0x7FF] =	sst s2;
	s3 =	sadd.s32 s3, s9  }
0x7: {  	s1 =	rddreg [dreg:$0x1];
	_ =	strace $0x80000047;
	s3 =	sadd.s32 $0x5200, s3  }
0x8: {  	[tilespmem:s2], [sflag:$0x4] =	stream.linear.gather [hbm4b:s3+s2], $0x200, $0x38;
	[tilespmem:$0x10200] =	vst v63  }
0x9: {  	_ =	swait.ge [sflag:s4], $0x200  }
0xa: {  	s6 =	simm.s32 $0x100;
	s7 =	simm.s32 $0x200;
	[sflag:s4] =	ssyncset.done $0x0  }
0xb: {  	s8 =	simm.s32 $0x1;
	s5 =	sadd.s32 $0x3A00, s9;
	[sflag:s4] =	ssyncadd.s32 $0xFFFFFE00  }
0xc: {  	[tilespmem:s7], [sflag:$0x1] =	stream.indirect.gather [hbm4b:s5+s6], $0x80, s2, s6, $0xb8;
	[tilespmem:$0x10200] =	vst v63  }
0xd: {  	_ =	swait.ge [sflag:s8], $0x8000  }
0xe: {  	s13 =	ssub.s32 $0x2, s11;
	s10 =	sshll.u32 s10, $0x4;
	[sflag:s8] =	ssyncset.done $0x0  }
0xf: {  	s12 =	sadd.s32 s10, s9;
	s9 =	simm.s32 $0x8200;
	[sflag:s8] =	ssyncadd.s32 $0xFFFF8000  }
0x10: {  	[tilespmem:s9], [sflag:$0x1] =	stream.indirect.gather [hbm4b:s5+s6], $0x80, s6, s6, $0xb8;
	[tilespmem:$0x10200] =	vst v63  }
0x11: {  	s14 =	sshrl.u32 s13, $0x1;
	s10 =	sadd.s32 $0x5A00, s12  }
0x12: {  	[hbm4b:s10+s2] =	stream.linear.scatter [tilespmem:s7], [sflag:$0x2], $0x8000, $0x38;
	[tilespmem:$0x10200] =	vst v63  }
0x13: {  	s13 =	ssub.s32 s13, s14;
	_ =	swait.ge [sflag:s8], $0x8000  }
0x14: {  	s14 =	smax.u32 s13, $0x1;
	s11 =	sadd.s32 $0x6A00, s12;
	[sflag:s8] =	ssyncset.done $0x0  }
0x15: {  	s12 =	simm.s32 $0x2;
	p0 =	sne.s32 s14, $0x1;
	[sflag:s8] =	ssyncadd.s32 $0xFFFF8000  }
0x16: {  	[hbm4b:s11+s2] =	stream.linear.scatter [tilespmem:s9], [sflag:$0x3], $0x8000, $0x38;
	[tilespmem:$0x10200] =	vst v63  }
.Ltmp0:
0x17: {  	_ =	swait.ge [sflag:s12], $0x8000;
	(pc) =	sbr.rel @!p0 .LBB2_2-.Ltmp0, $4  }
0x18: {  	[sflag:s12] =	ssyncset.done $0x0  }
0x19: {  	s13 =	simm.s32 $0x3;
	[sflag:s12] =	ssyncadd.s32 $0xFFFF8000  }
0x1a: {  	_ =	swait.ge [sflag:s13], $0x8000  }
0x1b: {  	s14 =	sadd.s32 $0xFFFFFFFF, s14;
	[sflag:s13] =	ssyncset.done $0x0  }
.LBB2_1:
0x1c: {  	p0 =	sne.s32 s14, $0x1;
	s14 =	sadd.s32 $0xFFFFFFFF, s14;
	[sflag:s13] =	ssyncadd.s32 $0xFFFF8000  }
0x1d: {  	[tilespmem:s2], [sflag:$0x4] =	stream.linear.gather [hbm4b:s3+s2], $0x200, $0x38;
	[tilespmem:$0x10200] =	vst v63  }
0x1e: {  	_ =	swait.ge [sflag:s4], $0x200  }
0x1f: {  	[sflag:s4] =	ssyncset.done $0x0  }
0x20: {  	[sflag:s4] =	ssyncadd.s32 $0xFFFFFE00  }
0x21: {  	[tilespmem:s7], [sflag:$0x1] =	stream.indirect.gather [hbm4b:s5+s6], $0x80, s2, s6, $0xb8;
	[tilespmem:$0x10200] =	vst v63  }
0x22: {  	_ =	swait.ge [sflag:s8], $0x8000  }
0x23: {  	[sflag:s8] =	ssyncset.done $0x0  }
0x24: {  	[sflag:s8] =	ssyncadd.s32 $0xFFFF8000  }
0x25: {  	[tilespmem:s9], [sflag:$0x1] =	stream.indirect.gather [hbm4b:s5+s6], $0x80, s6, s6, $0xb8;
	[tilespmem:$0x10200] =	vst v63  }
0x26: {  	_ = 	snop  }
0x27: {  	[hbm4b:s10+s2] =	stream.linear.scatter [tilespmem:s7], [sflag:$0x2], $0x8000, $0x38;
	[tilespmem:$0x10200] =	vst v63  }
0x28: {  	_ =	swait.ge [sflag:s8], $0x8000  }
0x29: {  	[sflag:s8] =	ssyncset.done $0x0  }
0x2a: {  	[sflag:s8] =	ssyncadd.s32 $0xFFFF8000  }
0x2b: {  	[hbm4b:s11+s2] =	stream.linear.scatter [tilespmem:s9], [sflag:$0x3], $0x8000, $0x38;
	[tilespmem:$0x10200] =	vst v63  }
.Ltmp1:
0x2c: {  	_ =	swait.ge [sflag:s12], $0x8000;
	(pc) =	sbr.rel @p0 .LBB2_1-.Ltmp1, $4  }
0x2d: {  	[sflag:s12] =	ssyncset.done $0x0  }
0x2e: {  	[sflag:s12] =	ssyncadd.s32 $0xFFFF8000  }
0x2f: {  	_ =	swait.ge [sflag:s13], $0x8000  }
0x30: {  	[sflag:s13] =	ssyncset.done $0x0  }
.LBB2_2:
0x31: {  	[sflag:s13] =	ssyncadd.s32 $0xFFFF8000  }
0x32: {  	_ =	sfence.sel $0x180000  }
0x33: {  	[bflag:$0x0] =	sbarrier.arrive $0xFFFF  }
0x34: {  	p0 =	sne.s32 s0, $0x0;
	_ =	strace $0x90000047  }
0x35: {  	s0 =	sadd.s32 @!p0 $0x100000, s1;
	[bflag:$0x2] =	sbarrier.arrive $0xFFFF  }
0x36: {  	[sflag:s0] =	ssyncadd.tile.s32 @!p0 $0x1;
	_ =	shalt  }
.Lfunc_end2:
_tile_overlayer_lowered:
.L_overlay_start_2:
0x37: {  	(tag) =	ssettag $0x2  }
0x38: {  	s0 =	rddreg [dreg:$0x0];
	s2 =	stileid.u32  }
0x39: {  	s1 =	rddreg [dreg:$0x1];
	p0 =	sne.s32 s2, $0x0  }
0x3a: {  	s3 =	rddreg [dreg:$0x2];
	[bflag:$0x3] =	sbarrier.arrive $0xFFFF;
	s2 =	simm.s32 @!p0 $0x1C04  }
0x3b: {  	[timem:s3], [sflag:s2] =	dma.local @!p0 [hbm:s0], s1  }
0x3c: {  	s0 =	simm.s32 @!p0 $0x4  }
0x3d: {  	_ =	swait.ge @!p0 [sflag:s0], s1  }
0x3e: {  	s1 =	ssub.s32 @!p0 $0x0, s1;
	[sflag:s0] =	ssyncset.done @!p0 $0x0  }
0x3f: {  	[sflag:s0] =	ssyncadd.s32 @!p0 s1  }
0x40: {  	[bflag:$0x3] =	sbarrier.arrive $0xFFFF  }
0x41: {  	_ =	shalt  }

</sc_bundles>
